<compile_context>
chip_gen: v7x
topology: tpu7x:2x2x1
jax: 0.10.2.dev20260603
libtpu: 0.0.44.dev20260713+nightly
codegen_flags: <defaults>
</compile_context>

<pallas_src>
import functools

import jax
import jax.numpy as jnp
from jax import lax
from jax.experimental import pallas as pl
from jax.experimental.pallas import tpu as pltpu
from jax.experimental.pallas import tpu_sc as plsc


_BS = 8


def _copy_body(y_ref, out_ref):
    out_ref[...] = y_ref[...]


def _tc_copy(Yf, blk):
    N = Yf.shape[0]
    return pl.pallas_call(
        _copy_body,
        grid=(N // blk,),
        in_specs=[pl.BlockSpec((blk,), lambda i: (i,))],
        out_specs=pl.BlockSpec((blk,), lambda i: (i,)),
        out_shape=jax.ShapeDtypeStruct((N,), jnp.float32),
    )(Yf)


def kernel(Y, X, x_idx, y_idx):
    Z, H, W = Y.shape
    n = X.shape[1]
    N = Z * H * W
    info = plsc.get_sparse_core_info()
    NC, NS = info.num_cores, info.num_subcores
    NW = NC * NS
    npairs = (Z // NW) * n
    rows = npairs // 128
    ngrp = 128 // 16

    Yf = Y.reshape(N)
    Xf = X.reshape(Z * n)
    xi = x_idx.astype(jnp.int32)
    yi = y_idx.astype(jnp.int32)

    mesh = plsc.VectorSubcoreMesh(core_axis_name="c", subcore_axis_name="s")

    @functools.partial(
        pl.kernel,
        mesh=mesh,
        out_type=(),
        scratch_types=[
            pltpu.VMEM((n,), jnp.int32),
            pltpu.VMEM((n,), jnp.int32),
            pltpu.VMEM((rows, 128), jnp.int32),
            pltpu.VMEM((rows, 128), jnp.float32),
            pltpu.VMEM((npairs,), jnp.float32),
            pltpu.SemaphoreType.DMA,
        ],
        compiler_params=pltpu.CompilerParams(needs_layout_passes=False),
    )
    def sc_inject(out_hbm, x_hbm, xi_hbm, yi_hbm,
                  xi_v, yi_v, idx_v, vals_v, xv_v, gsem):
        c_ax = lax.axis_index("c")
        s_ax = lax.axis_index("s")
        w = s_ax * NC + c_ax

        pltpu.sync_copy(xi_hbm, xi_v)
        pltpu.sync_copy(yi_hbm, yi_v)
        pltpu.sync_copy(x_hbm.at[pl.ds(w * npairs, npairs)], xv_v)

        pbase = w * npairs
        period = n // 16
        for r in range(rows):
            for k in range(ngrp):
                v = r * ngrp + k
                m = v % period
                zs = lax.shift_right_logical(pbase + v * 16, 6)
                xg = xi_v[pl.ds(m * 16, 16)]
                yg = yi_v[pl.ds(m * 16, 16)]
                idx_v[r, pl.ds(k * 16, 16)] = zs * (H * W) + xg * W + yg

        for r in range(rows):
            pltpu.async_copy(out_hbm.at[idx_v.at[r]], vals_v.at[r], gsem).wait()

        for r in range(rows):
            for k in range(ngrp):
                sl = pl.ds(k * 16, 16)
                vals_v[r, sl] = vals_v[r, sl] + xv_v[pl.ds(r * 128 + k * 16, 16)]

        for r in range(rows):
            pltpu.sync_copy(vals_v.at[r], out_hbm.at[idx_v.at[r]])

    out_ref = jax.new_ref(_tc_copy(Yf, _BS * H * W))
    sc_inject(out_ref, Xf, xi, yi)
    return jax.freeze(out_ref).reshape(Z, H, W)

# --- scband reference (transcript-rebuilt; emitter-appended) ---
"""Pipeline reference for scband-wave-source-59811714564704 (READ-ONLY COPY).

The authoritative reference and input builder live on the scoring server;
editing this copy changes nothing except your own understanding.
"""

import jax, jax.numpy as jnp
import numpy as np


def setup_inputs(seed: int = 0) -> dict:
    key = jax.random.key(seed)
    k1, k2 = jax.random.split(key)
    Y = jax.random.normal(k1, (256, 512, 512), dtype=jnp.float32)
    X = jax.random.normal(k2, (256, 64), dtype=jnp.float32)
    x_idx = jnp.asarray([(i * 37 + 11) % 512 for i in range(64)], dtype=jnp.int64)
    y_idx = jnp.asarray([(i * 53 + 7) % 512 for i in range(64)], dtype=jnp.int64)
    return {"Y": Y, "X": X, "x_idx": x_idx, "y_idx": y_idx}


def reference(Y, X, x_idx, y_idx):
    # Faithful translation of: Y[:, self.x, self.y] += X; return Y
    # Advanced indexing with two 1-D index arrays -> scatter-add at (x_idx[j], y_idx[j])
    Y_out = Y.at[:, x_idx, y_idx].add(X)
    return Y_out

if __name__ == "__main__":
    import jax
    _d = setup_inputs()
    print(jax.jit(kernel)(*tuple(_d.values())))

</pallas_src>

<mosaic_0001>
#map = affine_map<(d0, d1) -> (0)>
module attributes {stable_mosaic.version = 14 : i64} {
  func.func @new_body(%arg0: i32, %arg1: i32, %arg2: memref<67108864xf32, #tpu.memory_space<hbm>>, %arg3: memref<16384xf32, #tpu.memory_space<hbm>>, %arg4: memref<64xi32, #tpu.memory_space<hbm>>, %arg5: memref<64xi32, #tpu.memory_space<hbm>>, %arg6: memref<67108864xf32, #tpu.memory_space<hbm>>, %arg7: memref<64xi32, #tpu.memory_space<vmem>>, %arg8: memref<64xi32, #tpu.memory_space<vmem>>, %arg9: memref<4x128xi32, #tpu.memory_space<vmem>>, %arg10: memref<4x128xf32, #tpu.memory_space<vmem>>, %arg11: memref<512xf32, #tpu.memory_space<vmem>>, %arg12: memref<!tpu.dma_semaphore, #tpu.memory_space<semaphore_mem>>) attributes {dimension_semantics = [#tpu.dimension_semantics<core_parallel>, #tpu.dimension_semantics<subcore_parallel>], iteration_bounds = array<i64: 2, 16>, scalar_prefetch = 0 : i64, scratch_operands = 6 : i64, tpu.core_type = #tpu.core_type<sc_vector_subcore>, window_params = [{transform_indices = #map}, {transform_indices = #map}, {transform_indices = #map}, {transform_indices = #map}, {transform_indices = #map}]} {
    %mul3A = arith.constant 2 : i32
    %mul3A_0 = arith.muli %arg1, %mul3A : i32
    %add3A = arith.addi %mul3A_0, %arg0 : i32
    "tpu.region"() ({
      %run_scoped3A_1079 = tpu.sem_alloc : memref<!tpu.dma_semaphore, #tpu.memory_space<semaphore_mem>>
      tpu.enqueue_dma source(%arg4 : memref<64xi32, #tpu.memory_space<hbm>>) target(%arg7 : memref<64xi32, #tpu.memory_space<vmem>>) target_semaphore(%run_scoped3A_1079 : memref<!tpu.dma_semaphore, #tpu.memory_space<semaphore_mem>>)
      tpu.wait_dma2 semaphore(%run_scoped3A_1079 : memref<!tpu.dma_semaphore, #tpu.memory_space<semaphore_mem>>) src(%arg4 : memref<64xi32, #tpu.memory_space<hbm>>) dst(%arg7 : memref<64xi32, #tpu.memory_space<vmem>>)
      tpu.yield
    }) : () -> ()
    "tpu.region"() ({
      %run_scoped3A_1079 = tpu.sem_alloc : memref<!tpu.dma_semaphore, #tpu.memory_space<semaphore_mem>>
      tpu.enqueue_dma source(%arg5 : memref<64xi32, #tpu.memory_space<hbm>>) target(%arg8 : memref<64xi32, #tpu.memory_space<vmem>>) target_semaphore(%run_scoped3A_1079 : memref<!tpu.dma_semaphore, #tpu.memory_space<semaphore_mem>>)
      tpu.wait_dma2 semaphore(%run_scoped3A_1079 : memref<!tpu.dma_semaphore, #tpu.memory_space<semaphore_mem>>) src(%arg5 : memref<64xi32, #tpu.memory_space<hbm>>) dst(%arg8 : memref<64xi32, #tpu.memory_space<vmem>>)
      tpu.yield
    }) : () -> ()
    %mul3A_1 = arith.constant 512 : i32
    %mul3A_2 = arith.muli %add3A, %mul3A_1 : i32
    "tpu.region"() ({
      %run_scoped3A_1079 = tpu.sem_alloc : memref<!tpu.dma_semaphore, #tpu.memory_space<semaphore_mem>>
      %dma_start3A_1080 = tpu.memref_slice %arg3[%mul3A_2] : memref<16384xf32, #tpu.memory_space<hbm>> -> memref<512xf32, #tpu.memory_space<hbm>>
      %dma_start3A_1081 = tpu.memref_slice %arg3[%mul3A_2] : memref<16384xf32, #tpu.memory_space<hbm>> -> memref<512xf32, #tpu.memory_space<hbm>>
      tpu.enqueue_dma source(%dma_start3A_1081 : memref<512xf32, #tpu.memory_space<hbm>>) target(%arg11 : memref<512xf32, #tpu.memory_space<vmem>>) target_semaphore(%run_scoped3A_1079 : memref<!tpu.dma_semaphore, #tpu.memory_space<semaphore_mem>>)
      %dma_wait3A_1082 = tpu.memref_slice %arg3[%mul3A_2] : memref<16384xf32, #tpu.memory_space<hbm>> -> memref<512xf32, #tpu.memory_space<hbm>>
      %dma_wait3A_1083 = tpu.memref_slice %arg3[%mul3A_2] : memref<16384xf32, #tpu.memory_space<hbm>> -> memref<512xf32, #tpu.memory_space<hbm>>
      tpu.wait_dma2 semaphore(%run_scoped3A_1079 : memref<!tpu.dma_semaphore, #tpu.memory_space<semaphore_mem>>) src(%dma_wait3A_1083 : memref<512xf32, #tpu.memory_space<hbm>>) dst(%arg11 : memref<512xf32, #tpu.memory_space<vmem>>)
      tpu.yield
    }) : () -> ()
    %mul3A_3 = arith.constant 512 : i32
    %mul3A_4 = arith.muli %add3A, %mul3A_3 : i32
    %add3A_5 = arith.constant 0 : i32
    %add3A_6 = arith.addi %mul3A_4, %add3A_5 : i32
    %shift_right_logical3A = arith.constant 6 : i32
    %shift_right_logical3A_7 = arith.shrui %add3A_6, %shift_right_logical3A : i32
    %get3A = arith.constant 0 : index
    %get3A_8 = tpu.vector_load %arg7[%get3A] {strides = array<i32>} : memref<64xi32, #tpu.memory_space<vmem>>, vector<16xi32>,
    %get3A_9 = arith.constant 0 : index
    %get3A_10 = tpu.vector_load %arg8[%get3A_9] {strides = array<i32>} : memref<64xi32, #tpu.memory_space<vmem>>, vector<16xi32>,
    %mul3A_11 = arith.constant 262144 : i32
    %mul3A_12 = arith.muli %shift_right_logical3A_7, %mul3A_11 : i32
    %mul3A_13 = arith.constant 512 : i32
    %mul3A_14 = vector.broadcast %mul3A_13 : i32 to vector<16xi32>
    %mul3A_15 = arith.muli %get3A_8, %mul3A_14 : vector<16xi32>
    %add3A_16 = vector.broadcast %mul3A_12 : i32 to vector<16xi32>
    %add3A_17 = arith.addi %add3A_16, %mul3A_15 : vector<16xi32>
    %add3A_18 = arith.addi %add3A_17, %get3A_10 : vector<16xi32>
    %swap3A = arith.constant 0 : i32
    %swap3A_19 = arith.index_cast %swap3A : i32 to index
    %swap3A_20 = arith.constant 0 : index
    %swap3A_21 = tpu.vector_load %arg9[%swap3A_19, %swap3A_20] {strides = array<i32>} : memref<4x128xi32, #tpu.memory_space<vmem>>, vector<16xi32>,
    tpu.vector_store %arg9[%swap3A_19, %swap3A_20], %add3A_18 {strides = array<i32>} : memref<4x128xi32, #tpu.memory_space<vmem>>, vector<16xi32>,
    %add3A_22 = arith.constant 16 : i32
    %add3A_23 = arith.addi %mul3A_4, %add3A_22 : i32
    %shift_right_logical3A_24 = arith.constant 6 : i32
    %shift_right_logical3A_25 = arith.shrui %add3A_23, %shift_right_logical3A_24 : i32
    %get3A_26 = arith.constant 16 : index
    %get3A_27 = tpu.vector_load %arg7[%get3A_26] {strides = array<i32>} : memref<64xi32, #tpu.memory_space<vmem>>, vector<16xi32>,
    %get3A_28 = arith.constant 16 : index
    %get3A_29 = tpu.vector_load %arg8[%get3A_28] {strides = array<i32>} : memref<64xi32, #tpu.memory_space<vmem>>, vector<16xi32>,
    %mul3A_30 = arith.constant 262144 : i32
    %mul3A_31 = arith.muli %shift_right_logical3A_25, %mul3A_30 : i32
    %mul3A_32 = arith.constant 512 : i32
    %mul3A_33 = vector.broadcast %mul3A_32 : i32 to vector<16xi32>
    %mul3A_34 = arith.muli %get3A_27, %mul3A_33 : vector<16xi32>
    %add3A_35 = vector.broadcast %mul3A_31 : i32 to vector<16xi32>
    %add3A_36 = arith.addi %add3A_35, %mul3A_34 : vector<16xi32>
    %add3A_37 = arith.addi %add3A_36, %get3A_29 : vector<16xi32>
    %swap3A_38 = arith.constant 0 : i32
    %swap3A_39 = arith.index_cast %swap3A_38 : i32 to index
    %swap3A_40 = arith.constant 16 : index
    %swap3A_41 = tpu.vector_load %arg9[%swap3A_39, %swap3A_40] {strides = array<i32>} : memref<4x128xi32, #tpu.memory_space<vmem>>, vector<16xi32>,
    tpu.vector_store %arg9[%swap3A_39, %swap3A_40], %add3A_37 {strides = array<i32>} : memref<4x128xi32, #tpu.memory_space<vmem>>, vector<16xi32>,
    %add3A_42 = arith.constant 32 : i32
    %add3A_43 = arith.addi %mul3A_4, %add3A_42 : i32
    %shift_right_logical3A_44 = arith.constant 6 : i32
    %shift_right_logical3A_45 = arith.shrui %add3A_43, %shift_right_logical3A_44 : i32
    %get3A_46 = arith.constant 32 : index
    %get3A_47 = tpu.vector_load %arg7[%get3A_46] {strides = array<i32>} : memref<64xi32, #tpu.memory_space<vmem>>, vector<16xi32>,
    %get3A_48 = arith.constant 32 : index
    %get3A_49 = tpu.vector_load %arg8[%get3A_48] {strides = array<i32>} : memref<64xi32, #tpu.memory_space<vmem>>, vector<16xi32>,
    %mul3A_50 = arith.constant 262144 : i32
    %mul3A_51 = arith.muli %shift_right_logical3A_45, %mul3A_50 : i32
    %mul3A_52 = arith.constant 512 : i32
    %mul3A_53 = vector.broadcast %mul3A_52 : i32 to vector<16xi32>
    %mul3A_54 = arith.muli %get3A_47, %mul3A_53 : vector<16xi32>
    %add3A_55 = vector.broadcast %mul3A_51 : i32 to vector<16xi32>
    %add3A_56 = arith.addi %add3A_55, %mul3A_54 : vector<16xi32>
    %add3A_57 = arith.addi %add3A_56, %get3A_49 : vector<16xi32>
    %swap3A_58 = arith.constant 0 : i32
    %swap3A_59 = arith.index_cast %swap3A_58 : i32 to index
    %swap3A_60 = arith.constant 32 : index
    %swap3A_61 = tpu.vector_load %arg9[%swap3A_59, %swap3A_60] {strides = array<i32>} : memref<4x128xi32, #tpu.memory_space<vmem>>, vector<16xi32>,
    tpu.vector_store %arg9[%swap3A_59, %swap3A_60], %add3A_57 {strides = array<i32>} : memref<4x128xi32, #tpu.memory_space<vmem>>, vector<16xi32>,
    %add3A_62 = arith.constant 48 : i32
    %add3A_63 = arith.addi %mul3A_4, %add3A_62 : i32
    %shift_right_logical3A_64 = arith.constant 6 : i32
    %shift_right_logical3A_65 = arith.shrui %add3A_63, %shift_right_logical3A_64 : i32
    %get3A_66 = arith.constant 48 : index
    %get3A_67 = tpu.vector_load %arg7[%get3A_66] {strides = array<i32>} : memref<64xi32, #tpu.memory_space<vmem>>, vector<16xi32>,
    %get3A_68 = arith.constant 48 : index
    %get3A_69 = tpu.vector_load %arg8[%get3A_68] {strides = array<i32>} : memref<64xi32, #tpu.memory_space<vmem>>, vector<16xi32>,
    %mul3A_70 = arith.constant 262144 : i32
    %mul3A_71 = arith.muli %shift_right_logical3A_65, %mul3A_70 : i32
    %mul3A_72 = arith.constant 512 : i32
    %mul3A_73 = vector.broadcast %mul3A_72 : i32 to vector<16xi32>
    %mul3A_74 = arith.muli %get3A_67, %mul3A_73 : vector<16xi32>
    %add3A_75 = vector.broadcast %mul3A_71 : i32 to vector<16xi32>
    %add3A_76 = arith.addi %add3A_75, %mul3A_74 : vector<16xi32>
    %add3A_77 = arith.addi %add3A_76, %get3A_69 : vector<16xi32>
    %swap3A_78 = arith.constant 0 : i32
    %swap3A_79 = arith.index_cast %swap3A_78 : i32 to index
    %swap3A_80 = arith.constant 48 : index
    %swap3A_81 = tpu.vector_load %arg9[%swap3A_79, %swap3A_80] {strides = array<i32>} : memref<4x128xi32, #tpu.memory_space<vmem>>, vector<16xi32>,
    tpu.vector_store %arg9[%swap3A_79, %swap3A_80], %add3A_77 {strides = array<i32>} : memref<4x128xi32, #tpu.memory_space<vmem>>, vector<16xi32>,
    %add3A_82 = arith.constant 64 : i32
    %add3A_83 = arith.addi %mul3A_4, %add3A_82 : i32
    %shift_right_logical3A_84 = arith.constant 6 : i32
    %shift_right_logical3A_85 = arith.shrui %add3A_83, %shift_right_logical3A_84 : i32
    %get3A_86 = arith.constant 0 : index
    %get3A_87 = tpu.vector_load %arg7[%get3A_86] {strides = array<i32>} : memref<64xi32, #tpu.memory_space<vmem>>, vector<16xi32>,
    %get3A_88 = arith.constant 0 : index
    %get3A_89 = tpu.vector_load %arg8[%get3A_88] {strides = array<i32>} : memref<64xi32, #tpu.memory_space<vmem>>, vector<16xi32>,
    %mul3A_90 = arith.constant 262144 : i32
    %mul3A_91 = arith.muli %shift_right_logical3A_85, %mul3A_90 : i32
    %mul3A_92 = arith.constant 512 : i32
    %mul3A_93 = vector.broadcast %mul3A_92 : i32 to vector<16xi32>
    %mul3A_94 = arith.muli %get3A_87, %mul3A_93 : vector<16xi32>
    %add3A_95 = vector.broadcast %mul3A_91 : i32 to vector<16xi32>
    %add3A_96 = arith.addi %add3A_95, %mul3A_94 : vector<16xi32>
    %add3A_97 = arith.addi %add3A_96, %get3A_89 : vector<16xi32>
    %swap3A_98 = arith.constant 0 : i32
    %swap3A_99 = arith.index_cast %swap3A_98 : i32 to index
    %swap3A_100 = arith.constant 64 : index
    %swap3A_101 = tpu.vector_load %arg9[%swap3A_99, %swap3A_100] {strides = array<i32>} : memref<4x128xi32, #tpu.memory_space<vmem>>, vector<16xi32>,
    tpu.vector_store %arg9[%swap3A_99, %swap3A_100], %add3A_97 {strides = array<i32>} : memref<4x128xi32, #tpu.memory_space<vmem>>, vector<16xi32>,
    %add3A_102 = arith.constant 80 : i32
    %add3A_103 = arith.addi %mul3A_4, %add3A_102 : i32
    %shift_right_logical3A_104 = arith.constant 6 : i32
    %shift_right_logical3A_105 = arith.shrui %add3A_103, %shift_right_logical3A_104 : i32
    %get3A_106 = arith.constant 16 : index
    %get3A_107 = tpu.vector_load %arg7[%get3A_106] {strides = array<i32>} : memref<64xi32, #tpu.memory_space<vmem>>, vector<16xi32>,
    %get3A_108 = arith.constant 16 : index
    %get3A_109 = tpu.vector_load %arg8[%get3A_108] {strides = array<i32>} : memref<64xi32, #tpu.memory_space<vmem>>, vector<16xi32>,
    %mul3A_110 = arith.constant 262144 : i32
    %mul3A_111 = arith.muli %shift_right_logical3A_105, %mul3A_110 : i32
    %mul3A_112 = arith.constant 512 : i32
    %mul3A_113 = vector.broadcast %mul3A_112 : i32 to vector<16xi32>
    %mul3A_114 = arith.muli %get3A_107, %mul3A_113 : vector<16xi32>
    %add3A_115 = vector.broadcast %mul3A_111 : i32 to vector<16xi32>
    %add3A_116 = arith.addi %add3A_115, %mul3A_114 : vector<16xi32>
    %add3A_117 = arith.addi %add3A_116, %get3A_109 : vector<16xi32>
    %swap3A_118 = arith.constant 0 : i32
    %swap3A_119 = arith.index_cast %swap3A_118 : i32 to index
    %swap3A_120 = arith.constant 80 : index
    %swap3A_121 = tpu.vector_load %arg9[%swap3A_119, %swap3A_120] {strides = array<i32>} : memref<4x128xi32, #tpu.memory_space<vmem>>, vector<16xi32>,
    tpu.vector_store %arg9[%swap3A_119, %swap3A_120], %add3A_117 {strides = array<i32>} : memref<4x128xi32, #tpu.memory_space<vmem>>, vector<16xi32>,
    %add3A_122 = arith.constant 96 : i32
    %add3A_123 = arith.addi %mul3A_4, %add3A_122 : i32
    %shift_right_logical3A_124 = arith.constant 6 : i32
    %shift_right_logical3A_125 = arith.shrui %add3A_123, %shift_right_logical3A_124 : i32
    %get3A_126 = arith.constant 32 : index
    %get3A_127 = tpu.vector_load %arg7[%get3A_126] {strides = array<i32>} : memref<64xi32, #tpu.memory_space<vmem>>, vector<16xi32>,
    %get3A_128 = arith.constant 32 : index
    %get3A_129 = tpu.vector_load %arg8[%get3A_128] {strides = array<i32>} : memref<64xi32, #tpu.memory_space<vmem>>, vector<16xi32>,
    %mul3A_130 = arith.constant 262144 : i32
    %mul3A_131 = arith.muli %shift_right_logical3A_125, %mul3A_130 : i32
    %mul3A_132 = arith.constant 512 : i32
    %mul3A_133 = vector.broadcast %mul3A_132 : i32 to vector<16xi32>
    %mul3A_134 = arith.muli %get3A_127, %mul3A_133 : vector<16xi32>
    %add3A_135 = vector.broadcast %mul3A_131 : i32 to vector<16xi32>
    %add3A_136 = arith.addi %add3A_135, %mul3A_134 : vector<16xi32>
    %add3A_137 = arith.addi %add3A_136, %get3A_129 : vector<16xi32>
    %swap3A_138 = arith.constant 0 : i32
    %swap3A_139 = arith.index_cast %swap3A_138 : i32 to index
    %swap3A_140 = arith.constant 96 : index
    %swap3A_141 = tpu.vector_load %arg9[%swap3A_139, %swap3A_140] {strides = array<i32>} : memref<4x128xi32, #tpu.memory_space<vmem>>, vector<16xi32>,
    tpu.vector_store %arg9[%swap3A_139, %swap3A_140], %add3A_137 {strides = array<i32>} : memref<4x128xi32, #tpu.memory_space<vmem>>, vector<16xi32>,
    %add3A_142 = arith.constant 112 : i32
    %add3A_143 = arith.addi %mul3A_4, %add3A_142 : i32
    %shift_right_logical3A_144 = arith.constant 6 : i32
    %shift_right_logical3A_145 = arith.shrui %add3A_143, %shift_right_logical3A_144 : i32
    %get3A_146 = arith.constant 48 : index
    %get3A_147 = tpu.vector_load %arg7[%get3A_146] {strides = array<i32>} : memref<64xi32, #tpu.memory_space<vmem>>, vector<16xi32>,
    %get3A_148 = arith.constant 48 : index
    %get3A_149 = tpu.vector_load %arg8[%get3A_148] {strides = array<i32>} : memref<64xi32, #tpu.memory_space<vmem>>, vector<16xi32>,
    %mul3A_150 = arith.constant 262144 : i32
    %mul3A_151 = arith.muli %shift_right_logical3A_145, %mul3A_150 : i32
    %mul3A_152 = arith.constant 512 : i32
    %mul3A_153 = vector.broadcast %mul3A_152 : i32 to vector<16xi32>
    %mul3A_154 = arith.muli %get3A_147, %mul3A_153 : vector<16xi32>
    %add3A_155 = vector.broadcast %mul3A_151 : i32 to vector<16xi32>
    %add3A_156 = arith.addi %add3A_155, %mul3A_154 : vector<16xi32>
    %add3A_157 = arith.addi %add3A_156, %get3A_149 : vector<16xi32>
    %swap3A_158 = arith.constant 0 : i32
    %swap3A_159 = arith.index_cast %swap3A_158 : i32 to index
    %swap3A_160 = arith.constant 112 : index
    %swap3A_161 = tpu.vector_load %arg9[%swap3A_159, %swap3A_160] {strides = array<i32>} : memref<4x128xi32, #tpu.memory_space<vmem>>, vector<16xi32>,
    tpu.vector_store %arg9[%swap3A_159, %swap3A_160], %add3A_157 {strides = array<i32>} : memref<4x128xi32, #tpu.memory_space<vmem>>, vector<16xi32>,
    %add3A_162 = arith.constant 128 : i32
    %add3A_163 = arith.addi %mul3A_4, %add3A_162 : i32
    %shift_right_logical3A_164 = arith.constant 6 : i32
    %shift_right_logical3A_165 = arith.shrui %add3A_163, %shift_right_logical3A_164 : i32
    %get3A_166 = arith.constant 0 : index
    %get3A_167 = tpu.vector_load %arg7[%get3A_166] {strides = array<i32>} : memref<64xi32, #tpu.memory_space<vmem>>, vector<16xi32>,
    %get3A_168 = arith.constant 0 : index
    %get3A_169 = tpu.vector_load %arg8[%get3A_168] {strides = array<i32>} : memref<64xi32, #tpu.memory_space<vmem>>, vector<16xi32>,
    %mul3A_170 = arith.constant 262144 : i32
    %mul3A_171 = arith.muli %shift_right_logical3A_165, %mul3A_170 : i32
    %mul3A_172 = arith.constant 512 : i32
    %mul3A_173 = vector.broadcast %mul3A_172 : i32 to vector<16xi32>
    %mul3A_174 = arith.muli %get3A_167, %mul3A_173 : vector<16xi32>
    %add3A_175 = vector.broadcast %mul3A_171 : i32 to vector<16xi32>
    %add3A_176 = arith.addi %add3A_175, %mul3A_174 : vector<16xi32>
    %add3A_177 = arith.addi %add3A_176, %get3A_169 : vector<16xi32>
    %swap3A_178 = arith.constant 1 : i32
    %swap3A_179 = arith.index_cast %swap3A_178 : i32 to index
    %swap3A_180 = arith.constant 0 : index
    %swap3A_181 = tpu.vector_load %arg9[%swap3A_179, %swap3A_180] {strides = array<i32>} : memref<4x128xi32, #tpu.memory_space<vmem>>, vector<16xi32>,
    tpu.vector_store %arg9[%swap3A_179, %swap3A_180], %add3A_177 {strides = array<i32>} : memref<4x128xi32, #tpu.memory_space<vmem>>, vector<16xi32>,
    %add3A_182 = arith.constant 144 : i32
    %add3A_183 = arith.addi %mul3A_4, %add3A_182 : i32
    %shift_right_logical3A_184 = arith.constant 6 : i32
    %shift_right_logical3A_185 = arith.shrui %add3A_183, %shift_right_logical3A_184 : i32
    %get3A_186 = arith.constant 16 : index
    %get3A_187 = tpu.vector_load %arg7[%get3A_186] {strides = array<i32>} : memref<64xi32, #tpu.memory_space<vmem>>, vector<16xi32>,
    %get3A_188 = arith.constant 16 : index
    %get3A_189 = tpu.vector_load %arg8[%get3A_188] {strides = array<i32>} : memref<64xi32, #tpu.memory_space<vmem>>, vector<16xi32>,
    %mul3A_190 = arith.constant 262144 : i32
    %mul3A_191 = arith.muli %shift_right_logical3A_185, %mul3A_190 : i32
    %mul3A_192 = arith.constant 512 : i32
    %mul3A_193 = vector.broadcast %mul3A_192 : i32 to vector<16xi32>
    %mul3A_194 = arith.muli %get3A_187, %mul3A_193 : vector<16xi32>
    %add3A_195 = vector.broadcast %mul3A_191 : i32 to vector<16xi32>
    %add3A_196 = arith.addi %add3A_195, %mul3A_194 : vector<16xi32>
    %add3A_197 = arith.addi %add3A_196, %get3A_189 : vector<16xi32>
    %swap3A_198 = arith.constant 1 : i32
    %swap3A_199 = arith.index_cast %swap3A_198 : i32 to index
    %swap3A_200 = arith.constant 16 : index
    %swap3A_201 = tpu.vector_load %arg9[%swap3A_199, %swap3A_200] {strides = array<i32>} : memref<4x128xi32, #tpu.memory_space<vmem>>, vector<16xi32>,
    tpu.vector_store %arg9[%swap3A_199, %swap3A_200], %add3A_197 {strides = array<i32>} : memref<4x128xi32, #tpu.memory_space<vmem>>, vector<16xi32>,
    %add3A_202 = arith.constant 160 : i32
    %add3A_203 = arith.addi %mul3A_4, %add3A_202 : i32
    %shift_right_logical3A_204 = arith.constant 6 : i32
    %shift_right_logical3A_205 = arith.shrui %add3A_203, %shift_right_logical3A_204 : i32
    %get3A_206 = arith.constant 32 : index
    %get3A_207 = tpu.vector_load %arg7[%get3A_206] {strides = array<i32>} : memref<64xi32, #tpu.memory_space<vmem>>, vector<16xi32>,
    %get3A_208 = arith.constant 32 : index
    %get3A_209 = tpu.vector_load %arg8[%get3A_208] {strides = array<i32>} : memref<64xi32, #tpu.memory_space<vmem>>, vector<16xi32>,
    %mul3A_210 = arith.constant 262144 : i32
    %mul3A_211 = arith.muli %shift_right_logical3A_205, %mul3A_210 : i32
    %mul3A_212 = arith.constant 512 : i32
    %mul3A_213 = vector.broadcast %mul3A_212 : i32 to vector<16xi32>
    %mul3A_214 = arith.muli %get3A_207, %mul3A_213 : vector<16xi32>
    %add3A_215 = vector.broadcast %mul3A_211 : i32 to vector<16xi32>
    %add3A_216 = arith.addi %add3A_215, %mul3A_214 : vector<16xi32>
    %add3A_217 = arith.addi %add3A_216, %get3A_209 : vector<16xi32>
    %swap3A_218 = arith.constant 1 : i32
    %swap3A_219 = arith.index_cast %swap3A_218 : i32 to index
    %swap3A_220 = arith.constant 32 : index
    %swap3A_221 = tpu.vector_load %arg9[%swap3A_219, %swap3A_220] {strides = array<i32>} : memref<4x128xi32, #tpu.memory_space<vmem>>, vector<16xi32>,
    tpu.vector_store %arg9[%swap3A_219, %swap3A_220], %add3A_217 {strides = array<i32>} : memref<4x128xi32, #tpu.memory_space<vmem>>, vector<16xi32>,
    %add3A_222 = arith.constant 176 : i32
    %add3A_223 = arith.addi %mul3A_4, %add3A_222 : i32
    %shift_right_logical3A_224 = arith.constant 6 : i32
    %shift_right_logical3A_225 = arith.shrui %add3A_223, %shift_right_logical3A_224 : i32
    %get3A_226 = arith.constant 48 : index
    %get3A_227 = tpu.vector_load %arg7[%get3A_226] {strides = array<i32>} : memref<64xi32, #tpu.memory_space<vmem>>, vector<16xi32>,
    %get3A_228 = arith.constant 48 : index
    %get3A_229 = tpu.vector_load %arg8[%get3A_228] {strides = array<i32>} : memref<64xi32, #tpu.memory_space<vmem>>, vector<16xi32>,
    %mul3A_230 = arith.constant 262144 : i32
    %mul3A_231 = arith.muli %shift_right_logical3A_225, %mul3A_230 : i32
    %mul3A_232 = arith.constant 512 : i32
    %mul3A_233 = vector.broadcast %mul3A_232 : i32 to vector<16xi32>
    %mul3A_234 = arith.muli %get3A_227, %mul3A_233 : vector<16xi32>
    %add3A_235 = vector.broadcast %mul3A_231 : i32 to vector<16xi32>
    %add3A_236 = arith.addi %add3A_235, %mul3A_234 : vector<16xi32>
    %add3A_237 = arith.addi %add3A_236, %get3A_229 : vector<16xi32>
    %swap3A_238 = arith.constant 1 : i32
    %swap3A_239 = arith.index_cast %swap3A_238 : i32 to index
    %swap3A_240 = arith.constant 48 : index
    %swap3A_241 = tpu.vector_load %arg9[%swap3A_239, %swap3A_240] {strides = array<i32>} : memref<4x128xi32, #tpu.memory_space<vmem>>, vector<16xi32>,
    tpu.vector_store %arg9[%swap3A_239, %swap3A_240], %add3A_237 {strides = array<i32>} : memref<4x128xi32, #tpu.memory_space<vmem>>, vector<16xi32>,
    %add3A_242 = arith.constant 192 : i32
    %add3A_243 = arith.addi %mul3A_4, %add3A_242 : i32
    %shift_right_logical3A_244 = arith.constant 6 : i32
    %shift_right_logical3A_245 = arith.shrui %add3A_243, %shift_right_logical3A_244 : i32
    %get3A_246 = arith.constant 0 : index
    %get3A_247 = tpu.vector_load %arg7[%get3A_246] {strides = array<i32>} : memref<64xi32, #tpu.memory_space<vmem>>, vector<16xi32>,
    %get3A_248 = arith.constant 0 : index
    %get3A_249 = tpu.vector_load %arg8[%get3A_248] {strides = array<i32>} : memref<64xi32, #tpu.memory_space<vmem>>, vector<16xi32>,
    %mul3A_250 = arith.constant 262144 : i32
    %mul3A_251 = arith.muli %shift_right_logical3A_245, %mul3A_250 : i32
    %mul3A_252 = arith.constant 512 : i32
    %mul3A_253 = vector.broadcast %mul3A_252 : i32 to vector<16xi32>
    %mul3A_254 = arith.muli %get3A_247, %mul3A_253 : vector<16xi32>
    %add3A_255 = vector.broadcast %mul3A_251 : i32 to vector<16xi32>
    %add3A_256 = arith.addi %add3A_255, %mul3A_254 : vector<16xi32>
    %add3A_257 = arith.addi %add3A_256, %get3A_249 : vector<16xi32>
    %swap3A_258 = arith.constant 1 : i32
    %swap3A_259 = arith.index_cast %swap3A_258 : i32 to index
    %swap3A_260 = arith.constant 64 : index
    %swap3A_261 = tpu.vector_load %arg9[%swap3A_259, %swap3A_260] {strides = array<i32>} : memref<4x128xi32, #tpu.memory_space<vmem>>, vector<16xi32>,
    tpu.vector_store %arg9[%swap3A_259, %swap3A_260], %add3A_257 {strides = array<i32>} : memref<4x128xi32, #tpu.memory_space<vmem>>, vector<16xi32>,
    %add3A_262 = arith.constant 208 : i32
    %add3A_263 = arith.addi %mul3A_4, %add3A_262 : i32
    %shift_right_logical3A_264 = arith.constant 6 : i32
    %shift_right_logical3A_265 = arith.shrui %add3A_263, %shift_right_logical3A_264 : i32
    %get3A_266 = arith.constant 16 : index
    %get3A_267 = tpu.vector_load %arg7[%get3A_266] {strides = array<i32>} : memref<64xi32, #tpu.memory_space<vmem>>, vector<16xi32>,
    %get3A_268 = arith.constant 16 : index
    %get3A_269 = tpu.vector_load %arg8[%get3A_268] {strides = array<i32>} : memref<64xi32, #tpu.memory_space<vmem>>, vector<16xi32>,
    %mul3A_270 = arith.constant 262144 : i32
    %mul3A_271 = arith.muli %shift_right_logical3A_265, %mul3A_270 : i32
    %mul3A_272 = arith.constant 512 : i32
    %mul3A_273 = vector.broadcast %mul3A_272 : i32 to vector<16xi32>
    %mul3A_274 = arith.muli %get3A_267, %mul3A_273 : vector<16xi32>
    %add3A_275 = vector.broadcast %mul3A_271 : i32 to vector<16xi32>
    %add3A_276 = arith.addi %add3A_275, %mul3A_274 : vector<16xi32>
    %add3A_277 = arith.addi %add3A_276, %get3A_269 : vector<16xi32>
    %swap3A_278 = arith.constant 1 : i32
    %swap3A_279 = arith.index_cast %swap3A_278 : i32 to index
    %swap3A_280 = arith.constant 80 : index
    %swap3A_281 = tpu.vector_load %arg9[%swap3A_279, %swap3A_280] {strides = array<i32>} : memref<4x128xi32, #tpu.memory_space<vmem>>, vector<16xi32>,
    tpu.vector_store %arg9[%swap3A_279, %swap3A_280], %add3A_277 {strides = array<i32>} : memref<4x128xi32, #tpu.memory_space<vmem>>, vector<16xi32>,
    %add3A_282 = arith.constant 224 : i32
    %add3A_283 = arith.addi %mul3A_4, %add3A_282 : i32
    %shift_right_logical3A_284 = arith.constant 6 : i32
    %shift_right_logical3A_285 = arith.shrui %add3A_283, %shift_right_logical3A_284 : i32
    %get3A_286 = arith.constant 32 : index
    %get3A_287 = tpu.vector_load %arg7[%get3A_286] {strides = array<i32>} : memref<64xi32, #tpu.memory_space<vmem>>, vector<16xi32>,
    %get3A_288 = arith.constant 32 : index
    %get3A_289 = tpu.vector_load %arg8[%get3A_288] {strides = array<i32>} : memref<64xi32, #tpu.memory_space<vmem>>, vector<16xi32>,
    %mul3A_290 = arith.constant 262144 : i32
    %mul3A_291 = arith.muli %shift_right_logical3A_285, %mul3A_290 : i32
    %mul3A_292 = arith.constant 512 : i32
    %mul3A_293 = vector.broadcast %mul3A_292 : i32 to vector<16xi32>
    %mul3A_294 = arith.muli %get3A_287, %mul3A_293 : vector<16xi32>
    %add3A_295 = vector.broadcast %mul3A_291 : i32 to vector<16xi32>
    %add3A_296 = arith.addi %add3A_295, %mul3A_294 : vector<16xi32>
    %add3A_297 = arith.addi %add3A_296, %get3A_289 : vector<16xi32>
    %swap3A_298 = arith.constant 1 : i32
    %swap3A_299 = arith.index_cast %swap3A_298 : i32 to index
    %swap3A_300 = arith.constant 96 : index
    %swap3A_301 = tpu.vector_load %arg9[%swap3A_299, %swap3A_300] {strides = array<i32>} : memref<4x128xi32, #tpu.memory_space<vmem>>, vector<16xi32>,
    tpu.vector_store %arg9[%swap3A_299, %swap3A_300], %add3A_297 {strides = array<i32>} : memref<4x128xi32, #tpu.memory_space<vmem>>, vector<16xi32>,
    %add3A_302 = arith.constant 240 : i32
    %add3A_303 = arith.addi %mul3A_4, %add3A_302 : i32
    %shift_right_logical3A_304 = arith.constant 6 : i32
    %shift_right_logical3A_305 = arith.shrui %add3A_303, %shift_right_logical3A_304 : i32
    %get3A_306 = arith.constant 48 : index
    %get3A_307 = tpu.vector_load %arg7[%get3A_306] {strides = array<i32>} : memref<64xi32, #tpu.memory_space<vmem>>, vector<16xi32>,
    %get3A_308 = arith.constant 48 : index
    %get3A_309 = tpu.vector_load %arg8[%get3A_308] {strides = array<i32>} : memref<64xi32, #tpu.memory_space<vmem>>, vector<16xi32>,
    %mul3A_310 = arith.constant 262144 : i32
    %mul3A_311 = arith.muli %shift_right_logical3A_305, %mul3A_310 : i32
    %mul3A_312 = arith.constant 512 : i32
    %mul3A_313 = vector.broadcast %mul3A_312 : i32 to vector<16xi32>
    %mul3A_314 = arith.muli %get3A_307, %mul3A_313 : vector<16xi32>
    %add3A_315 = vector.broadcast %mul3A_311 : i32 to vector<16xi32>
    %add3A_316 = arith.addi %add3A_315, %mul3A_314 : vector<16xi32>
    %add3A_317 = arith.addi %add3A_316, %get3A_309 : vector<16xi32>
    %swap3A_318 = arith.constant 1 : i32
    %swap3A_319 = arith.index_cast %swap3A_318 : i32 to index
    %swap3A_320 = arith.constant 112 : index
    %swap3A_321 = tpu.vector_load %arg9[%swap3A_319, %swap3A_320] {strides = array<i32>} : memref<4x128xi32, #tpu.memory_space<vmem>>, vector<16xi32>,
    tpu.vector_store %arg9[%swap3A_319, %swap3A_320], %add3A_317 {strides = array<i32>} : memref<4x128xi32, #tpu.memory_space<vmem>>, vector<16xi32>,
    %add3A_322 = arith.constant 256 : i32
    %add3A_323 = arith.addi %mul3A_4, %add3A_322 : i32
    %shift_right_logical3A_324 = arith.constant 6 : i32
    %shift_right_logical3A_325 = arith.shrui %add3A_323, %shift_right_logical3A_324 : i32
    %get3A_326 = arith.constant 0 : index
    %get3A_327 = tpu.vector_load %arg7[%get3A_326] {strides = array<i32>} : memref<64xi32, #tpu.memory_space<vmem>>, vector<16xi32>,
    %get3A_328 = arith.constant 0 : index
    %get3A_329 = tpu.vector_load %arg8[%get3A_328] {strides = array<i32>} : memref<64xi32, #tpu.memory_space<vmem>>, vector<16xi32>,
    %mul3A_330 = arith.constant 262144 : i32
    %mul3A_331 = arith.muli %shift_right_logical3A_325, %mul3A_330 : i32
    %mul3A_332 = arith.constant 512 : i32
    %mul3A_333 = vector.broadcast %mul3A_332 : i32 to vector<16xi32>
    %mul3A_334 = arith.muli %get3A_327, %mul3A_333 : vector<16xi32>
    %add3A_335 = vector.broadcast %mul3A_331 : i32 to vector<16xi32>
    %add3A_336 = arith.addi %add3A_335, %mul3A_334 : vector<16xi32>
    %add3A_337 = arith.addi %add3A_336, %get3A_329 : vector<16xi32>
    %swap3A_338 = arith.constant 2 : i32
    %swap3A_339 = arith.index_cast %swap3A_338 : i32 to index
    %swap3A_340 = arith.constant 0 : index
    %swap3A_341 = tpu.vector_load %arg9[%swap3A_339, %swap3A_340] {strides = array<i32>} : memref<4x128xi32, #tpu.memory_space<vmem>>, vector<16xi32>,
    tpu.vector_store %arg9[%swap3A_339, %swap3A_340], %add3A_337 {strides = array<i32>} : memref<4x128xi32, #tpu.memory_space<vmem>>, vector<16xi32>,
    %add3A_342 = arith.constant 272 : i32
    %add3A_343 = arith.addi %mul3A_4, %add3A_342 : i32
    %shift_right_logical3A_344 = arith.constant 6 : i32
    %shift_right_logical3A_345 = arith.shrui %add3A_343, %shift_right_logical3A_344 : i32
    %get3A_346 = arith.constant 16 : index
    %get3A_347 = tpu.vector_load %arg7[%get3A_346] {strides = array<i32>} : memref<64xi32, #tpu.memory_space<vmem>>, vector<16xi32>,
    %get3A_348 = arith.constant 16 : index
    %get3A_349 = tpu.vector_load %arg8[%get3A_348] {strides = array<i32>} : memref<64xi32, #tpu.memory_space<vmem>>, vector<16xi32>,
    %mul3A_350 = arith.constant 262144 : i32
    %mul3A_351 = arith.muli %shift_right_logical3A_345, %mul3A_350 : i32
    %mul3A_352 = arith.constant 512 : i32
    %mul3A_353 = vector.broadcast %mul3A_352 : i32 to vector<16xi32>
    %mul3A_354 = arith.muli %get3A_347, %mul3A_353 : vector<16xi32>
    %add3A_355 = vector.broadcast %mul3A_351 : i32 to vector<16xi32>
    %add3A_356 = arith.addi %add3A_355, %mul3A_354 : vector<16xi32>
    %add3A_357 = arith.addi %add3A_356, %get3A_349 : vector<16xi32>
    %swap3A_358 = arith.constant 2 : i32
    %swap3A_359 = arith.index_cast %swap3A_358 : i32 to index
    %swap3A_360 = arith.constant 16 : index
    %swap3A_361 = tpu.vector_load %arg9[%swap3A_359, %swap3A_360] {strides = array<i32>} : memref<4x128xi32, #tpu.memory_space<vmem>>, vector<16xi32>,
    tpu.vector_store %arg9[%swap3A_359, %swap3A_360], %add3A_357 {strides = array<i32>} : memref<4x128xi32, #tpu.memory_space<vmem>>, vector<16xi32>,
    %add3A_362 = arith.constant 288 : i32
    %add3A_363 = arith.addi %mul3A_4, %add3A_362 : i32
    %shift_right_logical3A_364 = arith.constant 6 : i32
    %shift_right_logical3A_365 = arith.shrui %add3A_363, %shift_right_logical3A_364 : i32
    %get3A_366 = arith.constant 32 : index
    %get3A_367 = tpu.vector_load %arg7[%get3A_366] {strides = array<i32>} : memref<64xi32, #tpu.memory_space<vmem>>, vector<16xi32>,
    %get3A_368 = arith.constant 32 : index
    %get3A_369 = tpu.vector_load %arg8[%get3A_368] {strides = array<i32>} : memref<64xi32, #tpu.memory_space<vmem>>, vector<16xi32>,
    %mul3A_370 = arith.constant 262144 : i32
    %mul3A_371 = arith.muli %shift_right_logical3A_365, %mul3A_370 : i32
    %mul3A_372 = arith.constant 512 : i32
    %mul3A_373 = vector.broadcast %mul3A_372 : i32 to vector<16xi32>
    %mul3A_374 = arith.muli %get3A_367, %mul3A_373 : vector<16xi32>
    %add3A_375 = vector.broadcast %mul3A_371 : i32 to vector<16xi32>
    %add3A_376 = arith.addi %add3A_375, %mul3A_374 : vector<16xi32>
    %add3A_377 = arith.addi %add3A_376, %get3A_369 : vector<16xi32>
    %swap3A_378 = arith.constant 2 : i32
    %swap3A_379 = arith.index_cast %swap3A_378 : i32 to index
    %swap3A_380 = arith.constant 32 : index
    %swap3A_381 = tpu.vector_load %arg9[%swap3A_379, %swap3A_380] {strides = array<i32>} : memref<4x128xi32, #tpu.memory_space<vmem>>, vector<16xi32>,
    tpu.vector_store %arg9[%swap3A_379, %swap3A_380], %add3A_377 {strides = array<i32>} : memref<4x128xi32, #tpu.memory_space<vmem>>, vector<16xi32>,
    %add3A_382 = arith.constant 304 : i32
    %add3A_383 = arith.addi %mul3A_4, %add3A_382 : i32
    %shift_right_logical3A_384 = arith.constant 6 : i32
    %shift_right_logical3A_385 = arith.shrui %add3A_383, %shift_right_logical3A_384 : i32
    %get3A_386 = arith.constant 48 : index
    %get3A_387 = tpu.vector_load %arg7[%get3A_386] {strides = array<i32>} : memref<64xi32, #tpu.memory_space<vmem>>, vector<16xi32>,
    %get3A_388 = arith.constant 48 : index
    %get3A_389 = tpu.vector_load %arg8[%get3A_388] {strides = array<i32>} : memref<64xi32, #tpu.memory_space<vmem>>, vector<16xi32>,
    %mul3A_390 = arith.constant 262144 : i32
    %mul3A_391 = arith.muli %shift_right_logical3A_385, %mul3A_390 : i32
    %mul3A_392 = arith.constant 512 : i32
    %mul3A_393 = vector.broadcast %mul3A_392 : i32 to vector<16xi32>
    %mul3A_394 = arith.muli %get3A_387, %mul3A_393 : vector<16xi32>
    %add3A_395 = vector.broadcast %mul3A_391 : i32 to vector<16xi32>
    %add3A_396 = arith.addi %add3A_395, %mul3A_394 : vector<16xi32>
    %add3A_397 = arith.addi %add3A_396, %get3A_389 : vector<16xi32>
    %swap3A_398 = arith.constant 2 : i32
    %swap3A_399 = arith.index_cast %swap3A_398 : i32 to index
    %swap3A_400 = arith.constant 48 : index
    %swap3A_401 = tpu.vector_load %arg9[%swap3A_399, %swap3A_400] {strides = array<i32>} : memref<4x128xi32, #tpu.memory_space<vmem>>, vector<16xi32>,
    tpu.vector_store %arg9[%swap3A_399, %swap3A_400], %add3A_397 {strides = array<i32>} : memref<4x128xi32, #tpu.memory_space<vmem>>, vector<16xi32>,
    %add3A_402 = arith.constant 320 : i32
    %add3A_403 = arith.addi %mul3A_4, %add3A_402 : i32
    %shift_right_logical3A_404 = arith.constant 6 : i32
    %shift_right_logical3A_405 = arith.shrui %add3A_403, %shift_right_logical3A_404 : i32
    %get3A_406 = arith.constant 0 : index
    %get3A_407 = tpu.vector_load %arg7[%get3A_406] {strides = array<i32>} : memref<64xi32, #tpu.memory_space<vmem>>, vector<16xi32>,
    %get3A_408 = arith.constant 0 : index
    %get3A_409 = tpu.vector_load %arg8[%get3A_408] {strides = array<i32>} : memref<64xi32, #tpu.memory_space<vmem>>, vector<16xi32>,
    %mul3A_410 = arith.constant 262144 : i32
    %mul3A_411 = arith.muli %shift_right_logical3A_405, %mul3A_410 : i32
    %mul3A_412 = arith.constant 512 : i32
    %mul3A_413 = vector.broadcast %mul3A_412 : i32 to vector<16xi32>
    %mul3A_414 = arith.muli %get3A_407, %mul3A_413 : vector<16xi32>
    %add3A_415 = vector.broadcast %mul3A_411 : i32 to vector<16xi32>
    %add3A_416 = arith.addi %add3A_415, %mul3A_414 : vector<16xi32>
    %add3A_417 = arith.addi %add3A_416, %get3A_409 : vector<16xi32>
    %swap3A_418 = arith.constant 2 : i32
    %swap3A_419 = arith.index_cast %swap3A_418 : i32 to index
    %swap3A_420 = arith.constant 64 : index
    %swap3A_421 = tpu.vector_load %arg9[%swap3A_419, %swap3A_420] {strides = array<i32>} : memref<4x128xi32, #tpu.memory_space<vmem>>, vector<16xi32>,
    tpu.vector_store %arg9[%swap3A_419, %swap3A_420], %add3A_417 {strides = array<i32>} : memref<4x128xi32, #tpu.memory_space<vmem>>, vector<16xi32>,
    %add3A_422 = arith.constant 336 : i32
    %add3A_423 = arith.addi %mul3A_4, %add3A_422 : i32
    %shift_right_logical3A_424 = arith.constant 6 : i32
    %shift_right_logical3A_425 = arith.shrui %add3A_423, %shift_right_logical3A_424 : i32
    %get3A_426 = arith.constant 16 : index
    %get3A_427 = tpu.vector_load %arg7[%get3A_426] {strides = array<i32>} : memref<64xi32, #tpu.memory_space<vmem>>, vector<16xi32>,
    %get3A_428 = arith.constant 16 : index
    %get3A_429 = tpu.vector_load %arg8[%get3A_428] {strides = array<i32>} : memref<64xi32, #tpu.memory_space<vmem>>, vector<16xi32>,
    %mul3A_430 = arith.constant 262144 : i32
    %mul3A_431 = arith.muli %shift_right_logical3A_425, %mul3A_430 : i32
    %mul3A_432 = arith.constant 512 : i32
    %mul3A_433 = vector.broadcast %mul3A_432 : i32 to vector<16xi32>
    %mul3A_434 = arith.muli %get3A_427, %mul3A_433 : vector<16xi32>
    %add3A_435 = vector.broadcast %mul3A_431 : i32 to vector<16xi32>
    %add3A_436 = arith.addi %add3A_435, %mul3A_434 : vector<16xi32>
    %add3A_437 = arith.addi %add3A_436, %get3A_429 : vector<16xi32>
    %swap3A_438 = arith.constant 2 : i32
    %swap3A_439 = arith.index_cast %swap3A_438 : i32 to index
    %swap3A_440 = arith.constant 80 : index
    %swap3A_441 = tpu.vector_load %arg9[%swap3A_439, %swap3A_440] {strides = array<i32>} : memref<4x128xi32, #tpu.memory_space<vmem>>, vector<16xi32>,
    tpu.vector_store %arg9[%swap3A_439, %swap3A_440], %add3A_437 {strides = array<i32>} : memref<4x128xi32, #tpu.memory_space<vmem>>, vector<16xi32>,
    %add3A_442 = arith.constant 352 : i32
    %add3A_443 = arith.addi %mul3A_4, %add3A_442 : i32
    %shift_right_logical3A_444 = arith.constant 6 : i32
    %shift_right_logical3A_445 = arith.shrui %add3A_443, %shift_right_logical3A_444 : i32
    %get3A_446 = arith.constant 32 : index
    %get3A_447 = tpu.vector_load %arg7[%get3A_446] {strides = array<i32>} : memref<64xi32, #tpu.memory_space<vmem>>, vector<16xi32>,
    %get3A_448 = arith.constant 32 : index
    %get3A_449 = tpu.vector_load %arg8[%get3A_448] {strides = array<i32>} : memref<64xi32, #tpu.memory_space<vmem>>, vector<16xi32>,
    %mul3A_450 = arith.constant 262144 : i32
    %mul3A_451 = arith.muli %shift_right_logical3A_445, %mul3A_450 : i32
    %mul3A_452 = arith.constant 512 : i32
    %mul3A_453 = vector.broadcast %mul3A_452 : i32 to vector<16xi32>
    %mul3A_454 = arith.muli %get3A_447, %mul3A_453 : vector<16xi32>
    %add3A_455 = vector.broadcast %mul3A_451 : i32 to vector<16xi32>
    %add3A_456 = arith.addi %add3A_455, %mul3A_454 : vector<16xi32>
    %add3A_457 = arith.addi %add3A_456, %get3A_449 : vector<16xi32>
    %swap3A_458 = arith.constant 2 : i32
    %swap3A_459 = arith.index_cast %swap3A_458 : i32 to index
    %swap3A_460 = arith.constant 96 : index
    %swap3A_461 = tpu.vector_load %arg9[%swap3A_459, %swap3A_460] {strides = array<i32>} : memref<4x128xi32, #tpu.memory_space<vmem>>, vector<16xi32>,
    tpu.vector_store %arg9[%swap3A_459, %swap3A_460], %add3A_457 {strides = array<i32>} : memref<4x128xi32, #tpu.memory_space<vmem>>, vector<16xi32>,
    %add3A_462 = arith.constant 368 : i32
    %add3A_463 = arith.addi %mul3A_4, %add3A_462 : i32
    %shift_right_logical3A_464 = arith.constant 6 : i32
    %shift_right_logical3A_465 = arith.shrui %add3A_463, %shift_right_logical3A_464 : i32
    %get3A_466 = arith.constant 48 : index
    %get3A_467 = tpu.vector_load %arg7[%get3A_466] {strides = array<i32>} : memref<64xi32, #tpu.memory_space<vmem>>, vector<16xi32>,
    %get3A_468 = arith.constant 48 : index
    %get3A_469 = tpu.vector_load %arg8[%get3A_468] {strides = array<i32>} : memref<64xi32, #tpu.memory_space<vmem>>, vector<16xi32>,
    %mul3A_470 = arith.constant 262144 : i32
    %mul3A_471 = arith.muli %shift_right_logical3A_465, %mul3A_470 : i32
    %mul3A_472 = arith.constant 512 : i32
    %mul3A_473 = vector.broadcast %mul3A_472 : i32 to vector<16xi32>
    %mul3A_474 = arith.muli %get3A_467, %mul3A_473 : vector<16xi32>
    %add3A_475 = vector.broadcast %mul3A_471 : i32 to vector<16xi32>
    %add3A_476 = arith.addi %add3A_475, %mul3A_474 : vector<16xi32>
    %add3A_477 = arith.addi %add3A_476, %get3A_469 : vector<16xi32>
    %swap3A_478 = arith.constant 2 : i32
    %swap3A_479 = arith.index_cast %swap3A_478 : i32 to index
    %swap3A_480 = arith.constant 112 : index
    %swap3A_481 = tpu.vector_load %arg9[%swap3A_479, %swap3A_480] {strides = array<i32>} : memref<4x128xi32, #tpu.memory_space<vmem>>, vector<16xi32>,
    tpu.vector_store %arg9[%swap3A_479, %swap3A_480], %add3A_477 {strides = array<i32>} : memref<4x128xi32, #tpu.memory_space<vmem>>, vector<16xi32>,
    %add3A_482 = arith.constant 384 : i32
    %add3A_483 = arith.addi %mul3A_4, %add3A_482 : i32
    %shift_right_logical3A_484 = arith.constant 6 : i32
    %shift_right_logical3A_485 = arith.shrui %add3A_483, %shift_right_logical3A_484 : i32
    %get3A_486 = arith.constant 0 : index
    %get3A_487 = tpu.vector_load %arg7[%get3A_486] {strides = array<i32>} : memref<64xi32, #tpu.memory_space<vmem>>, vector<16xi32>,
    %get3A_488 = arith.constant 0 : index
    %get3A_489 = tpu.vector_load %arg8[%get3A_488] {strides = array<i32>} : memref<64xi32, #tpu.memory_space<vmem>>, vector<16xi32>,
    %mul3A_490 = arith.constant 262144 : i32
    %mul3A_491 = arith.muli %shift_right_logical3A_485, %mul3A_490 : i32
    %mul3A_492 = arith.constant 512 : i32
    %mul3A_493 = vector.broadcast %mul3A_492 : i32 to vector<16xi32>
    %mul3A_494 = arith.muli %get3A_487, %mul3A_493 : vector<16xi32>
    %add3A_495 = vector.broadcast %mul3A_491 : i32 to vector<16xi32>
    %add3A_496 = arith.addi %add3A_495, %mul3A_494 : vector<16xi32>
    %add3A_497 = arith.addi %add3A_496, %get3A_489 : vector<16xi32>
    %swap3A_498 = arith.constant 3 : i32
    %swap3A_499 = arith.index_cast %swap3A_498 : i32 to index
    %swap3A_500 = arith.constant 0 : index
    %swap3A_501 = tpu.vector_load %arg9[%swap3A_499, %swap3A_500] {strides = array<i32>} : memref<4x128xi32, #tpu.memory_space<vmem>>, vector<16xi32>,
    tpu.vector_store %arg9[%swap3A_499, %swap3A_500], %add3A_497 {strides = array<i32>} : memref<4x128xi32, #tpu.memory_space<vmem>>, vector<16xi32>,
    %add3A_502 = arith.constant 400 : i32
    %add3A_503 = arith.addi %mul3A_4, %add3A_502 : i32
    %shift_right_logical3A_504 = arith.constant 6 : i32
    %shift_right_logical3A_505 = arith.shrui %add3A_503, %shift_right_logical3A_504 : i32
    %get3A_506 = arith.constant 16 : index
    %get3A_507 = tpu.vector_load %arg7[%get3A_506] {strides = array<i32>} : memref<64xi32, #tpu.memory_space<vmem>>, vector<16xi32>,
    %get3A_508 = arith.constant 16 : index
    %get3A_509 = tpu.vector_load %arg8[%get3A_508] {strides = array<i32>} : memref<64xi32, #tpu.memory_space<vmem>>, vector<16xi32>,
    %mul3A_510 = arith.constant 262144 : i32
    %mul3A_511 = arith.muli %shift_right_logical3A_505, %mul3A_510 : i32
    %mul3A_512 = arith.constant 512 : i32
    %mul3A_513 = vector.broadcast %mul3A_512 : i32 to vector<16xi32>
    %mul3A_514 = arith.muli %get3A_507, %mul3A_513 : vector<16xi32>
    %add3A_515 = vector.broadcast %mul3A_511 : i32 to vector<16xi32>
    %add3A_516 = arith.addi %add3A_515, %mul3A_514 : vector<16xi32>
    %add3A_517 = arith.addi %add3A_516, %get3A_509 : vector<16xi32>
    %swap3A_518 = arith.constant 3 : i32
    %swap3A_519 = arith.index_cast %swap3A_518 : i32 to index
    %swap3A_520 = arith.constant 16 : index
    %swap3A_521 = tpu.vector_load %arg9[%swap3A_519, %swap3A_520] {strides = array<i32>} : memref<4x128xi32, #tpu.memory_space<vmem>>, vector<16xi32>,
    tpu.vector_store %arg9[%swap3A_519, %swap3A_520], %add3A_517 {strides = array<i32>} : memref<4x128xi32, #tpu.memory_space<vmem>>, vector<16xi32>,
    %add3A_522 = arith.constant 416 : i32
    %add3A_523 = arith.addi %mul3A_4, %add3A_522 : i32
    %shift_right_logical3A_524 = arith.constant 6 : i32
    %shift_right_logical3A_525 = arith.shrui %add3A_523, %shift_right_logical3A_524 : i32
    %get3A_526 = arith.constant 32 : index
    %get3A_527 = tpu.vector_load %arg7[%get3A_526] {strides = array<i32>} : memref<64xi32, #tpu.memory_space<vmem>>, vector<16xi32>,
    %get3A_528 = arith.constant 32 : index
    %get3A_529 = tpu.vector_load %arg8[%get3A_528] {strides = array<i32>} : memref<64xi32, #tpu.memory_space<vmem>>, vector<16xi32>,
    %mul3A_530 = arith.constant 262144 : i32
    %mul3A_531 = arith.muli %shift_right_logical3A_525, %mul3A_530 : i32
    %mul3A_532 = arith.constant 512 : i32
    %mul3A_533 = vector.broadcast %mul3A_532 : i32 to vector<16xi32>
    %mul3A_534 = arith.muli %get3A_527, %mul3A_533 : vector<16xi32>
    %add3A_535 = vector.broadcast %mul3A_531 : i32 to vector<16xi32>
    %add3A_536 = arith.addi %add3A_535, %mul3A_534 : vector<16xi32>
    %add3A_537 = arith.addi %add3A_536, %get3A_529 : vector<16xi32>
    %swap3A_538 = arith.constant 3 : i32
    %swap3A_539 = arith.index_cast %swap3A_538 : i32 to index
    %swap3A_540 = arith.constant 32 : index
    %swap3A_541 = tpu.vector_load %arg9[%swap3A_539, %swap3A_540] {strides = array<i32>} : memref<4x128xi32, #tpu.memory_space<vmem>>, vector<16xi32>,
    tpu.vector_store %arg9[%swap3A_539, %swap3A_540], %add3A_537 {strides = array<i32>} : memref<4x128xi32, #tpu.memory_space<vmem>>, vector<16xi32>,
    %add3A_542 = arith.constant 432 : i32
    %add3A_543 = arith.addi %mul3A_4, %add3A_542 : i32
    %shift_right_logical3A_544 = arith.constant 6 : i32
    %shift_right_logical3A_545 = arith.shrui %add3A_543, %shift_right_logical3A_544 : i32
    %get3A_546 = arith.constant 48 : index
    %get3A_547 = tpu.vector_load %arg7[%get3A_546] {strides = array<i32>} : memref<64xi32, #tpu.memory_space<vmem>>, vector<16xi32>,
    %get3A_548 = arith.constant 48 : index
    %get3A_549 = tpu.vector_load %arg8[%get3A_548] {strides = array<i32>} : memref<64xi32, #tpu.memory_space<vmem>>, vector<16xi32>,
    %mul3A_550 = arith.constant 262144 : i32
    %mul3A_551 = arith.muli %shift_right_logical3A_545, %mul3A_550 : i32
    %mul3A_552 = arith.constant 512 : i32
    %mul3A_553 = vector.broadcast %mul3A_552 : i32 to vector<16xi32>
    %mul3A_554 = arith.muli %get3A_547, %mul3A_553 : vector<16xi32>
    %add3A_555 = vector.broadcast %mul3A_551 : i32 to vector<16xi32>
    %add3A_556 = arith.addi %add3A_555, %mul3A_554 : vector<16xi32>
    %add3A_557 = arith.addi %add3A_556, %get3A_549 : vector<16xi32>
    %swap3A_558 = arith.constant 3 : i32
    %swap3A_559 = arith.index_cast %swap3A_558 : i32 to index
    %swap3A_560 = arith.constant 48 : index
    %swap3A_561 = tpu.vector_load %arg9[%swap3A_559, %swap3A_560] {strides = array<i32>} : memref<4x128xi32, #tpu.memory_space<vmem>>, vector<16xi32>,
    tpu.vector_store %arg9[%swap3A_559, %swap3A_560], %add3A_557 {strides = array<i32>} : memref<4x128xi32, #tpu.memory_space<vmem>>, vector<16xi32>,
    %add3A_562 = arith.constant 448 : i32
    %add3A_563 = arith.addi %mul3A_4, %add3A_562 : i32
    %shift_right_logical3A_564 = arith.constant 6 : i32
    %shift_right_logical3A_565 = arith.shrui %add3A_563, %shift_right_logical3A_564 : i32
    %get3A_566 = arith.constant 0 : index
    %get3A_567 = tpu.vector_load %arg7[%get3A_566] {strides = array<i32>} : memref<64xi32, #tpu.memory_space<vmem>>, vector<16xi32>,
    %get3A_568 = arith.constant 0 : index
    %get3A_569 = tpu.vector_load %arg8[%get3A_568] {strides = array<i32>} : memref<64xi32, #tpu.memory_space<vmem>>, vector<16xi32>,
    %mul3A_570 = arith.constant 262144 : i32
    %mul3A_571 = arith.muli %shift_right_logical3A_565, %mul3A_570 : i32
    %mul3A_572 = arith.constant 512 : i32
    %mul3A_573 = vector.broadcast %mul3A_572 : i32 to vector<16xi32>
    %mul3A_574 = arith.muli %get3A_567, %mul3A_573 : vector<16xi32>
    %add3A_575 = vector.broadcast %mul3A_571 : i32 to vector<16xi32>
    %add3A_576 = arith.addi %add3A_575, %mul3A_574 : vector<16xi32>
    %add3A_577 = arith.addi %add3A_576, %get3A_569 : vector<16xi32>
    %swap3A_578 = arith.constant 3 : i32
    %swap3A_579 = arith.index_cast %swap3A_578 : i32 to index
    %swap3A_580 = arith.constant 64 : index
    %swap3A_581 = tpu.vector_load %arg9[%swap3A_579, %swap3A_580] {strides = array<i32>} : memref<4x128xi32, #tpu.memory_space<vmem>>, vector<16xi32>,
    tpu.vector_store %arg9[%swap3A_579, %swap3A_580], %add3A_577 {strides = array<i32>} : memref<4x128xi32, #tpu.memory_space<vmem>>, vector<16xi32>,
    %add3A_582 = arith.constant 464 : i32
    %add3A_583 = arith.addi %mul3A_4, %add3A_582 : i32
    %shift_right_logical3A_584 = arith.constant 6 : i32
    %shift_right_logical3A_585 = arith.shrui %add3A_583, %shift_right_logical3A_584 : i32
    %get3A_586 = arith.constant 16 : index
    %get3A_587 = tpu.vector_load %arg7[%get3A_586] {strides = array<i32>} : memref<64xi32, #tpu.memory_space<vmem>>, vector<16xi32>,
    %get3A_588 = arith.constant 16 : index
    %get3A_589 = tpu.vector_load %arg8[%get3A_588] {strides = array<i32>} : memref<64xi32, #tpu.memory_space<vmem>>, vector<16xi32>,
    %mul3A_590 = arith.constant 262144 : i32
    %mul3A_591 = arith.muli %shift_right_logical3A_585, %mul3A_590 : i32
    %mul3A_592 = arith.constant 512 : i32
    %mul3A_593 = vector.broadcast %mul3A_592 : i32 to vector<16xi32>
    %mul3A_594 = arith.muli %get3A_587, %mul3A_593 : vector<16xi32>
    %add3A_595 = vector.broadcast %mul3A_591 : i32 to vector<16xi32>
    %add3A_596 = arith.addi %add3A_595, %mul3A_594 : vector<16xi32>
    %add3A_597 = arith.addi %add3A_596, %get3A_589 : vector<16xi32>
    %swap3A_598 = arith.constant 3 : i32
    %swap3A_599 = arith.index_cast %swap3A_598 : i32 to index
    %swap3A_600 = arith.constant 80 : index
    %swap3A_601 = tpu.vector_load %arg9[%swap3A_599, %swap3A_600] {strides = array<i32>} : memref<4x128xi32, #tpu.memory_space<vmem>>, vector<16xi32>,
    tpu.vector_store %arg9[%swap3A_599, %swap3A_600], %add3A_597 {strides = array<i32>} : memref<4x128xi32, #tpu.memory_space<vmem>>, vector<16xi32>,
    %add3A_602 = arith.constant 480 : i32
    %add3A_603 = arith.addi %mul3A_4, %add3A_602 : i32
    %shift_right_logical3A_604 = arith.constant 6 : i32
    %shift_right_logical3A_605 = arith.shrui %add3A_603, %shift_right_logical3A_604 : i32
    %get3A_606 = arith.constant 32 : index
    %get3A_607 = tpu.vector_load %arg7[%get3A_606] {strides = array<i32>} : memref<64xi32, #tpu.memory_space<vmem>>, vector<16xi32>,
    %get3A_608 = arith.constant 32 : index
    %get3A_609 = tpu.vector_load %arg8[%get3A_608] {strides = array<i32>} : memref<64xi32, #tpu.memory_space<vmem>>, vector<16xi32>,
    %mul3A_610 = arith.constant 262144 : i32
    %mul3A_611 = arith.muli %shift_right_logical3A_605, %mul3A_610 : i32
    %mul3A_612 = arith.constant 512 : i32
    %mul3A_613 = vector.broadcast %mul3A_612 : i32 to vector<16xi32>
    %mul3A_614 = arith.muli %get3A_607, %mul3A_613 : vector<16xi32>
    %add3A_615 = vector.broadcast %mul3A_611 : i32 to vector<16xi32>
    %add3A_616 = arith.addi %add3A_615, %mul3A_614 : vector<16xi32>
    %add3A_617 = arith.addi %add3A_616, %get3A_609 : vector<16xi32>
    %swap3A_618 = arith.constant 3 : i32
    %swap3A_619 = arith.index_cast %swap3A_618 : i32 to index
    %swap3A_620 = arith.constant 96 : index
    %swap3A_621 = tpu.vector_load %arg9[%swap3A_619, %swap3A_620] {strides = array<i32>} : memref<4x128xi32, #tpu.memory_space<vmem>>, vector<16xi32>,
    tpu.vector_store %arg9[%swap3A_619, %swap3A_620], %add3A_617 {strides = array<i32>} : memref<4x128xi32, #tpu.memory_space<vmem>>, vector<16xi32>,
    %add3A_622 = arith.constant 496 : i32
    %add3A_623 = arith.addi %mul3A_4, %add3A_622 : i32
    %shift_right_logical3A_624 = arith.constant 6 : i32
    %shift_right_logical3A_625 = arith.shrui %add3A_623, %shift_right_logical3A_624 : i32
    %get3A_626 = arith.constant 48 : index
    %get3A_627 = tpu.vector_load %arg7[%get3A_626] {strides = array<i32>} : memref<64xi32, #tpu.memory_space<vmem>>, vector<16xi32>,
    %get3A_628 = arith.constant 48 : index
    %get3A_629 = tpu.vector_load %arg8[%get3A_628] {strides = array<i32>} : memref<64xi32, #tpu.memory_space<vmem>>, vector<16xi32>,
    %mul3A_630 = arith.constant 262144 : i32
    %mul3A_631 = arith.muli %shift_right_logical3A_625, %mul3A_630 : i32
    %mul3A_632 = arith.constant 512 : i32
    %mul3A_633 = vector.broadcast %mul3A_632 : i32 to vector<16xi32>
    %mul3A_634 = arith.muli %get3A_627, %mul3A_633 : vector<16xi32>
    %add3A_635 = vector.broadcast %mul3A_631 : i32 to vector<16xi32>
    %add3A_636 = arith.addi %add3A_635, %mul3A_634 : vector<16xi32>
    %add3A_637 = arith.addi %add3A_636, %get3A_629 : vector<16xi32>
    %swap3A_638 = arith.constant 3 : i32
    %swap3A_639 = arith.index_cast %swap3A_638 : i32 to index
    %swap3A_640 = arith.constant 112 : index
    %swap3A_641 = tpu.vector_load %arg9[%swap3A_639, %swap3A_640] {strides = array<i32>} : memref<4x128xi32, #tpu.memory_space<vmem>>, vector<16xi32>,
    tpu.vector_store %arg9[%swap3A_639, %swap3A_640], %add3A_637 {strides = array<i32>} : memref<4x128xi32, #tpu.memory_space<vmem>>, vector<16xi32>,
    %dma_start3A = arith.constant 0 : i32
    %dma_start3A_642 = arith.constant 0 : i32
    %dma_start3A_643 = arith.constant 0 : i32
    %dma_start3A_644 = tpu.memref_slice %arg10[%dma_start3A_642, %dma_start3A_643] : memref<4x128xf32, #tpu.memory_space<vmem>> -> memref<1x128xf32, #tpu.memory_space<vmem>>
    %dma_start3A_645 = tpu.memref_squeeze %dma_start3A_644 : memref<1x128xf32, #tpu.memory_space<vmem>> -> memref<128xf32, #tpu.memory_space<vmem>>
    %dma_start3A_646 = arith.constant 0 : i32
    %dma_start3A_647 = tpu.memref_slice %arg9[%dma_start3A, %dma_start3A_646] : memref<4x128xi32, #tpu.memory_space<vmem>> -> memref<1x128xi32, #tpu.memory_space<vmem>>
    %dma_start3A_648 = tpu.memref_squeeze %dma_start3A_647 : memref<1x128xi32, #tpu.memory_space<vmem>> -> memref<128xi32, #tpu.memory_space<vmem>>
    %dma_start3A_649 = arith.constant 0 : i32
    %dma_start3A_650 = tpu.memref_slice %arg2[%dma_start3A_649] : memref<67108864xf32, #tpu.memory_space<hbm>> -> memref<67108864xf32, #tpu.memory_space<hbm>>
    tpu.enqueue_indirect_dma source(%dma_start3A_650 : memref<67108864xf32, #tpu.memory_space<hbm>>) target(%dma_start3A_645 : memref<128xf32, #tpu.memory_space<vmem>>) offsets(%dma_start3A_648 : memref<128xi32, #tpu.memory_space<vmem>>) semaphore(%arg12 : memref<!tpu.dma_semaphore, #tpu.memory_space<semaphore_mem>>)
    %dma_wait3A = arith.constant 0 : i32
    %dma_wait3A_651 = arith.constant 0 : i32
    %dma_wait3A_652 = arith.constant 0 : i32
    %dma_wait3A_653 = tpu.memref_slice %arg10[%dma_wait3A_651, %dma_wait3A_652] : memref<4x128xf32, #tpu.memory_space<vmem>> -> memref<1x128xf32, #tpu.memory_space<vmem>>
    %dma_wait3A_654 = tpu.memref_squeeze %dma_wait3A_653 : memref<1x128xf32, #tpu.memory_space<vmem>> -> memref<128xf32, #tpu.memory_space<vmem>>
    %dma_wait3A_655 = arith.constant 0 : i32
    %dma_wait3A_656 = tpu.memref_slice %arg9[%dma_wait3A, %dma_wait3A_655] : memref<4x128xi32, #tpu.memory_space<vmem>> -> memref<1x128xi32, #tpu.memory_space<vmem>>
    %dma_wait3A_657 = tpu.memref_squeeze %dma_wait3A_656 : memref<1x128xi32, #tpu.memory_space<vmem>> -> memref<128xi32, #tpu.memory_space<vmem>>
    %dma_wait3A_658 = arith.constant 0 : i32
    %dma_wait3A_659 = tpu.memref_slice %arg2[%dma_wait3A_658] : memref<67108864xf32, #tpu.memory_space<hbm>> -> memref<67108864xf32, #tpu.memory_space<hbm>>
    tpu.wait_indirect_dma semaphore(%arg12 : memref<!tpu.dma_semaphore, #tpu.memory_space<semaphore_mem>>) src(%dma_wait3A_659 : memref<67108864xf32, #tpu.memory_space<hbm>>) dst(%dma_wait3A_654 : memref<128xf32, #tpu.memory_space<vmem>>)
    %dma_start3A_660 = arith.constant 1 : i32
    %dma_start3A_661 = arith.constant 1 : i32
    %dma_start3A_662 = arith.constant 0 : i32
    %dma_start3A_663 = tpu.memref_slice %arg10[%dma_start3A_661, %dma_start3A_662] : memref<4x128xf32, #tpu.memory_space<vmem>> -> memref<1x128xf32, #tpu.memory_space<vmem>>
    %dma_start3A_664 = tpu.memref_squeeze %dma_start3A_663 : memref<1x128xf32, #tpu.memory_space<vmem>> -> memref<128xf32, #tpu.memory_space<vmem>>
    %dma_start3A_665 = arith.constant 0 : i32
    %dma_start3A_666 = tpu.memref_slice %arg9[%dma_start3A_660, %dma_start3A_665] : memref<4x128xi32, #tpu.memory_space<vmem>> -> memref<1x128xi32, #tpu.memory_space<vmem>>
    %dma_start3A_667 = tpu.memref_squeeze %dma_start3A_666 : memref<1x128xi32, #tpu.memory_space<vmem>> -> memref<128xi32, #tpu.memory_space<vmem>>
    %dma_start3A_668 = arith.constant 0 : i32
    %dma_start3A_669 = tpu.memref_slice %arg2[%dma_start3A_668] : memref<67108864xf32, #tpu.memory_space<hbm>> -> memref<67108864xf32, #tpu.memory_space<hbm>>
    tpu.enqueue_indirect_dma source(%dma_start3A_669 : memref<67108864xf32, #tpu.memory_space<hbm>>) target(%dma_start3A_664 : memref<128xf32, #tpu.memory_space<vmem>>) offsets(%dma_start3A_667 : memref<128xi32, #tpu.memory_space<vmem>>) semaphore(%arg12 : memref<!tpu.dma_semaphore, #tpu.memory_space<semaphore_mem>>)
    %dma_wait3A_670 = arith.constant 1 : i32
    %dma_wait3A_671 = arith.constant 1 : i32
    %dma_wait3A_672 = arith.constant 0 : i32
    %dma_wait3A_673 = tpu.memref_slice %arg10[%dma_wait3A_671, %dma_wait3A_672] : memref<4x128xf32, #tpu.memory_space<vmem>> -> memref<1x128xf32, #tpu.memory_space<vmem>>
    %dma_wait3A_674 = tpu.memref_squeeze %dma_wait3A_673 : memref<1x128xf32, #tpu.memory_space<vmem>> -> memref<128xf32, #tpu.memory_space<vmem>>
    %dma_wait3A_675 = arith.constant 0 : i32
    %dma_wait3A_676 = tpu.memref_slice %arg9[%dma_wait3A_670, %dma_wait3A_675] : memref<4x128xi32, #tpu.memory_space<vmem>> -> memref<1x128xi32, #tpu.memory_space<vmem>>
    %dma_wait3A_677 = tpu.memref_squeeze %dma_wait3A_676 : memref<1x128xi32, #tpu.memory_space<vmem>> -> memref<128xi32, #tpu.memory_space<vmem>>
    %dma_wait3A_678 = arith.constant 0 : i32
    %dma_wait3A_679 = tpu.memref_slice %arg2[%dma_wait3A_678] : memref<67108864xf32, #tpu.memory_space<hbm>> -> memref<67108864xf32, #tpu.memory_space<hbm>>
    tpu.wait_indirect_dma semaphore(%arg12 : memref<!tpu.dma_semaphore, #tpu.memory_space<semaphore_mem>>) src(%dma_wait3A_679 : memref<67108864xf32, #tpu.memory_space<hbm>>) dst(%dma_wait3A_674 : memref<128xf32, #tpu.memory_space<vmem>>)
    %dma_start3A_680 = arith.constant 2 : i32
    %dma_start3A_681 = arith.constant 2 : i32
    %dma_start3A_682 = arith.constant 0 : i32
    %dma_start3A_683 = tpu.memref_slice %arg10[%dma_start3A_681, %dma_start3A_682] : memref<4x128xf32, #tpu.memory_space<vmem>> -> memref<1x128xf32, #tpu.memory_space<vmem>>
    %dma_start3A_684 = tpu.memref_squeeze %dma_start3A_683 : memref<1x128xf32, #tpu.memory_space<vmem>> -> memref<128xf32, #tpu.memory_space<vmem>>
    %dma_start3A_685 = arith.constant 0 : i32
    %dma_start3A_686 = tpu.memref_slice %arg9[%dma_start3A_680, %dma_start3A_685] : memref<4x128xi32, #tpu.memory_space<vmem>> -> memref<1x128xi32, #tpu.memory_space<vmem>>
    %dma_start3A_687 = tpu.memref_squeeze %dma_start3A_686 : memref<1x128xi32, #tpu.memory_space<vmem>> -> memref<128xi32, #tpu.memory_space<vmem>>
    %dma_start3A_688 = arith.constant 0 : i32
    %dma_start3A_689 = tpu.memref_slice %arg2[%dma_start3A_688] : memref<67108864xf32, #tpu.memory_space<hbm>> -> memref<67108864xf32, #tpu.memory_space<hbm>>
    tpu.enqueue_indirect_dma source(%dma_start3A_689 : memref<67108864xf32, #tpu.memory_space<hbm>>) target(%dma_start3A_684 : memref<128xf32, #tpu.memory_space<vmem>>) offsets(%dma_start3A_687 : memref<128xi32, #tpu.memory_space<vmem>>) semaphore(%arg12 : memref<!tpu.dma_semaphore, #tpu.memory_space<semaphore_mem>>)
    %dma_wait3A_690 = arith.constant 2 : i32
    %dma_wait3A_691 = arith.constant 2 : i32
    %dma_wait3A_692 = arith.constant 0 : i32
    %dma_wait3A_693 = tpu.memref_slice %arg10[%dma_wait3A_691, %dma_wait3A_692] : memref<4x128xf32, #tpu.memory_space<vmem>> -> memref<1x128xf32, #tpu.memory_space<vmem>>
    %dma_wait3A_694 = tpu.memref_squeeze %dma_wait3A_693 : memref<1x128xf32, #tpu.memory_space<vmem>> -> memref<128xf32, #tpu.memory_space<vmem>>
    %dma_wait3A_695 = arith.constant 0 : i32
    %dma_wait3A_696 = tpu.memref_slice %arg9[%dma_wait3A_690, %dma_wait3A_695] : memref<4x128xi32, #tpu.memory_space<vmem>> -> memref<1x128xi32, #tpu.memory_space<vmem>>
    %dma_wait3A_697 = tpu.memref_squeeze %dma_wait3A_696 : memref<1x128xi32, #tpu.memory_space<vmem>> -> memref<128xi32, #tpu.memory_space<vmem>>
    %dma_wait3A_698 = arith.constant 0 : i32
    %dma_wait3A_699 = tpu.memref_slice %arg2[%dma_wait3A_698] : memref<67108864xf32, #tpu.memory_space<hbm>> -> memref<67108864xf32, #tpu.memory_space<hbm>>
    tpu.wait_indirect_dma semaphore(%arg12 : memref<!tpu.dma_semaphore, #tpu.memory_space<semaphore_mem>>) src(%dma_wait3A_699 : memref<67108864xf32, #tpu.memory_space<hbm>>) dst(%dma_wait3A_694 : memref<128xf32, #tpu.memory_space<vmem>>)
    %dma_start3A_700 = arith.constant 3 : i32
    %dma_start3A_701 = arith.constant 3 : i32
    %dma_start3A_702 = arith.constant 0 : i32
    %dma_start3A_703 = tpu.memref_slice %arg10[%dma_start3A_701, %dma_start3A_702] : memref<4x128xf32, #tpu.memory_space<vmem>> -> memref<1x128xf32, #tpu.memory_space<vmem>>
    %dma_start3A_704 = tpu.memref_squeeze %dma_start3A_703 : memref<1x128xf32, #tpu.memory_space<vmem>> -> memref<128xf32, #tpu.memory_space<vmem>>
    %dma_start3A_705 = arith.constant 0 : i32
    %dma_start3A_706 = tpu.memref_slice %arg9[%dma_start3A_700, %dma_start3A_705] : memref<4x128xi32, #tpu.memory_space<vmem>> -> memref<1x128xi32, #tpu.memory_space<vmem>>
    %dma_start3A_707 = tpu.memref_squeeze %dma_start3A_706 : memref<1x128xi32, #tpu.memory_space<vmem>> -> memref<128xi32, #tpu.memory_space<vmem>>
    %dma_start3A_708 = arith.constant 0 : i32
    %dma_start3A_709 = tpu.memref_slice %arg2[%dma_start3A_708] : memref<67108864xf32, #tpu.memory_space<hbm>> -> memref<67108864xf32, #tpu.memory_space<hbm>>
    tpu.enqueue_indirect_dma source(%dma_start3A_709 : memref<67108864xf32, #tpu.memory_space<hbm>>) target(%dma_start3A_704 : memref<128xf32, #tpu.memory_space<vmem>>) offsets(%dma_start3A_707 : memref<128xi32, #tpu.memory_space<vmem>>) semaphore(%arg12 : memref<!tpu.dma_semaphore, #tpu.memory_space<semaphore_mem>>)
    %dma_wait3A_710 = arith.constant 3 : i32
    %dma_wait3A_711 = arith.constant 3 : i32
    %dma_wait3A_712 = arith.constant 0 : i32
    %dma_wait3A_713 = tpu.memref_slice %arg10[%dma_wait3A_711, %dma_wait3A_712] : memref<4x128xf32, #tpu.memory_space<vmem>> -> memref<1x128xf32, #tpu.memory_space<vmem>>
    %dma_wait3A_714 = tpu.memref_squeeze %dma_wait3A_713 : memref<1x128xf32, #tpu.memory_space<vmem>> -> memref<128xf32, #tpu.memory_space<vmem>>
    %dma_wait3A_715 = arith.constant 0 : i32
    %dma_wait3A_716 = tpu.memref_slice %arg9[%dma_wait3A_710, %dma_wait3A_715] : memref<4x128xi32, #tpu.memory_space<vmem>> -> memref<1x128xi32, #tpu.memory_space<vmem>>
    %dma_wait3A_717 = tpu.memref_squeeze %dma_wait3A_716 : memref<1x128xi32, #tpu.memory_space<vmem>> -> memref<128xi32, #tpu.memory_space<vmem>>
    %dma_wait3A_718 = arith.constant 0 : i32
    %dma_wait3A_719 = tpu.memref_slice %arg2[%dma_wait3A_718] : memref<67108864xf32, #tpu.memory_space<hbm>> -> memref<67108864xf32, #tpu.memory_space<hbm>>
    tpu.wait_indirect_dma semaphore(%arg12 : memref<!tpu.dma_semaphore, #tpu.memory_space<semaphore_mem>>) src(%dma_wait3A_719 : memref<67108864xf32, #tpu.memory_space<hbm>>) dst(%dma_wait3A_714 : memref<128xf32, #tpu.memory_space<vmem>>)
    %get3A_720 = arith.constant 0 : i32
    %get3A_721 = arith.index_cast %get3A_720 : i32 to index
    %get3A_722 = arith.constant 0 : index
    %get3A_723 = tpu.vector_load %arg10[%get3A_721, %get3A_722] {strides = array<i32>} : memref<4x128xf32, #tpu.memory_space<vmem>>, vector<16xf32>,
    %get3A_724 = arith.constant 0 : index
    %get3A_725 = tpu.vector_load %arg11[%get3A_724] {strides = array<i32>} : memref<512xf32, #tpu.memory_space<vmem>>, vector<16xf32>,
    %add3A_726 = arith.addf %get3A_723, %get3A_725 : vector<16xf32>
    %swap3A_727 = arith.constant 0 : i32
    %swap3A_728 = arith.index_cast %swap3A_727 : i32 to index
    %swap3A_729 = arith.constant 0 : index
    %swap3A_730 = tpu.vector_load %arg10[%swap3A_728, %swap3A_729] {strides = array<i32>} : memref<4x128xf32, #tpu.memory_space<vmem>>, vector<16xf32>,
    tpu.vector_store %arg10[%swap3A_728, %swap3A_729], %add3A_726 {strides = array<i32>} : memref<4x128xf32, #tpu.memory_space<vmem>>, vector<16xf32>,
    %get3A_731 = arith.constant 0 : i32
    %get3A_732 = arith.index_cast %get3A_731 : i32 to index
    %get3A_733 = arith.constant 16 : index
    %get3A_734 = tpu.vector_load %arg10[%get3A_732, %get3A_733] {strides = array<i32>} : memref<4x128xf32, #tpu.memory_space<vmem>>, vector<16xf32>,
    %get3A_735 = arith.constant 16 : index
    %get3A_736 = tpu.vector_load %arg11[%get3A_735] {strides = array<i32>} : memref<512xf32, #tpu.memory_space<vmem>>, vector<16xf32>,
    %add3A_737 = arith.addf %get3A_734, %get3A_736 : vector<16xf32>
    %swap3A_738 = arith.constant 0 : i32
    %swap3A_739 = arith.index_cast %swap3A_738 : i32 to index
    %swap3A_740 = arith.constant 16 : index
    %swap3A_741 = tpu.vector_load %arg10[%swap3A_739, %swap3A_740] {strides = array<i32>} : memref<4x128xf32, #tpu.memory_space<vmem>>, vector<16xf32>,
    tpu.vector_store %arg10[%swap3A_739, %swap3A_740], %add3A_737 {strides = array<i32>} : memref<4x128xf32, #tpu.memory_space<vmem>>, vector<16xf32>,
    %get3A_742 = arith.constant 0 : i32
    %get3A_743 = arith.index_cast %get3A_742 : i32 to index
    %get3A_744 = arith.constant 32 : index
    %get3A_745 = tpu.vector_load %arg10[%get3A_743, %get3A_744] {strides = array<i32>} : memref<4x128xf32, #tpu.memory_space<vmem>>, vector<16xf32>,
    %get3A_746 = arith.constant 32 : index
    %get3A_747 = tpu.vector_load %arg11[%get3A_746] {strides = array<i32>} : memref<512xf32, #tpu.memory_space<vmem>>, vector<16xf32>,
    %add3A_748 = arith.addf %get3A_745, %get3A_747 : vector<16xf32>
    %swap3A_749 = arith.constant 0 : i32
    %swap3A_750 = arith.index_cast %swap3A_749 : i32 to index
    %swap3A_751 = arith.constant 32 : index
    %swap3A_752 = tpu.vector_load %arg10[%swap3A_750, %swap3A_751] {strides = array<i32>} : memref<4x128xf32, #tpu.memory_space<vmem>>, vector<16xf32>,
    tpu.vector_store %arg10[%swap3A_750, %swap3A_751], %add3A_748 {strides = array<i32>} : memref<4x128xf32, #tpu.memory_space<vmem>>, vector<16xf32>,
    %get3A_753 = arith.constant 0 : i32
    %get3A_754 = arith.index_cast %get3A_753 : i32 to index
    %get3A_755 = arith.constant 48 : index
    %get3A_756 = tpu.vector_load %arg10[%get3A_754, %get3A_755] {strides = array<i32>} : memref<4x128xf32, #tpu.memory_space<vmem>>, vector<16xf32>,
    %get3A_757 = arith.constant 48 : index
    %get3A_758 = tpu.vector_load %arg11[%get3A_757] {strides = array<i32>} : memref<512xf32, #tpu.memory_space<vmem>>, vector<16xf32>,
    %add3A_759 = arith.addf %get3A_756, %get3A_758 : vector<16xf32>
    %swap3A_760 = arith.constant 0 : i32
    %swap3A_761 = arith.index_cast %swap3A_760 : i32 to index
    %swap3A_762 = arith.constant 48 : index
    %swap3A_763 = tpu.vector_load %arg10[%swap3A_761, %swap3A_762] {strides = array<i32>} : memref<4x128xf32, #tpu.memory_space<vmem>>, vector<16xf32>,
    tpu.vector_store %arg10[%swap3A_761, %swap3A_762], %add3A_759 {strides = array<i32>} : memref<4x128xf32, #tpu.memory_space<vmem>>, vector<16xf32>,
    %get3A_764 = arith.constant 0 : i32
    %get3A_765 = arith.index_cast %get3A_764 : i32 to index
    %get3A_766 = arith.constant 64 : index
    %get3A_767 = tpu.vector_load %arg10[%get3A_765, %get3A_766] {strides = array<i32>} : memref<4x128xf32, #tpu.memory_space<vmem>>, vector<16xf32>,
    %get3A_768 = arith.constant 64 : index
    %get3A_769 = tpu.vector_load %arg11[%get3A_768] {strides = array<i32>} : memref<512xf32, #tpu.memory_space<vmem>>, vector<16xf32>,
    %add3A_770 = arith.addf %get3A_767, %get3A_769 : vector<16xf32>
    %swap3A_771 = arith.constant 0 : i32
    %swap3A_772 = arith.index_cast %swap3A_771 : i32 to index
    %swap3A_773 = arith.constant 64 : index
    %swap3A_774 = tpu.vector_load %arg10[%swap3A_772, %swap3A_773] {strides = array<i32>} : memref<4x128xf32, #tpu.memory_space<vmem>>, vector<16xf32>,
    tpu.vector_store %arg10[%swap3A_772, %swap3A_773], %add3A_770 {strides = array<i32>} : memref<4x128xf32, #tpu.memory_space<vmem>>, vector<16xf32>,
    %get3A_775 = arith.constant 0 : i32
    %get3A_776 = arith.index_cast %get3A_775 : i32 to index
    %get3A_777 = arith.constant 80 : index
    %get3A_778 = tpu.vector_load %arg10[%get3A_776, %get3A_777] {strides = array<i32>} : memref<4x128xf32, #tpu.memory_space<vmem>>, vector<16xf32>,
    %get3A_779 = arith.constant 80 : index
    %get3A_780 = tpu.vector_load %arg11[%get3A_779] {strides = array<i32>} : memref<512xf32, #tpu.memory_space<vmem>>, vector<16xf32>,
    %add3A_781 = arith.addf %get3A_778, %get3A_780 : vector<16xf32>
    %swap3A_782 = arith.constant 0 : i32
    %swap3A_783 = arith.index_cast %swap3A_782 : i32 to index
    %swap3A_784 = arith.constant 80 : index
    %swap3A_785 = tpu.vector_load %arg10[%swap3A_783, %swap3A_784] {strides = array<i32>} : memref<4x128xf32, #tpu.memory_space<vmem>>, vector<16xf32>,
    tpu.vector_store %arg10[%swap3A_783, %swap3A_784], %add3A_781 {strides = array<i32>} : memref<4x128xf32, #tpu.memory_space<vmem>>, vector<16xf32>,
    %get3A_786 = arith.constant 0 : i32
    %get3A_787 = arith.index_cast %get3A_786 : i32 to index
    %get3A_788 = arith.constant 96 : index
    %get3A_789 = tpu.vector_load %arg10[%get3A_787, %get3A_788] {strides = array<i32>} : memref<4x128xf32, #tpu.memory_space<vmem>>, vector<16xf32>,
    %get3A_790 = arith.constant 96 : index
    %get3A_791 = tpu.vector_load %arg11[%get3A_790] {strides = array<i32>} : memref<512xf32, #tpu.memory_space<vmem>>, vector<16xf32>,
    %add3A_792 = arith.addf %get3A_789, %get3A_791 : vector<16xf32>
    %swap3A_793 = arith.constant 0 : i32
    %swap3A_794 = arith.index_cast %swap3A_793 : i32 to index
    %swap3A_795 = arith.constant 96 : index
    %swap3A_796 = tpu.vector_load %arg10[%swap3A_794, %swap3A_795] {strides = array<i32>} : memref<4x128xf32, #tpu.memory_space<vmem>>, vector<16xf32>,
    tpu.vector_store %arg10[%swap3A_794, %swap3A_795], %add3A_792 {strides = array<i32>} : memref<4x128xf32, #tpu.memory_space<vmem>>, vector<16xf32>,
    %get3A_797 = arith.constant 0 : i32
    %get3A_798 = arith.index_cast %get3A_797 : i32 to index
    %get3A_799 = arith.constant 112 : index
    %get3A_800 = tpu.vector_load %arg10[%get3A_798, %get3A_799] {strides = array<i32>} : memref<4x128xf32, #tpu.memory_space<vmem>>, vector<16xf32>,
    %get3A_801 = arith.constant 112 : index
    %get3A_802 = tpu.vector_load %arg11[%get3A_801] {strides = array<i32>} : memref<512xf32, #tpu.memory_space<vmem>>, vector<16xf32>,
    %add3A_803 = arith.addf %get3A_800, %get3A_802 : vector<16xf32>
    %swap3A_804 = arith.constant 0 : i32
    %swap3A_805 = arith.index_cast %swap3A_804 : i32 to index
    %swap3A_806 = arith.constant 112 : index
    %swap3A_807 = tpu.vector_load %arg10[%swap3A_805, %swap3A_806] {strides = array<i32>} : memref<4x128xf32, #tpu.memory_space<vmem>>, vector<16xf32>,
    tpu.vector_store %arg10[%swap3A_805, %swap3A_806], %add3A_803 {strides = array<i32>} : memref<4x128xf32, #tpu.memory_space<vmem>>, vector<16xf32>,
    %get3A_808 = arith.constant 1 : i32
    %get3A_809 = arith.index_cast %get3A_808 : i32 to index
    %get3A_810 = arith.constant 0 : index
    %get3A_811 = tpu.vector_load %arg10[%get3A_809, %get3A_810] {strides = array<i32>} : memref<4x128xf32, #tpu.memory_space<vmem>>, vector<16xf32>,
    %get3A_812 = arith.constant 128 : index
    %get3A_813 = tpu.vector_load %arg11[%get3A_812] {strides = array<i32>} : memref<512xf32, #tpu.memory_space<vmem>>, vector<16xf32>,
    %add3A_814 = arith.addf %get3A_811, %get3A_813 : vector<16xf32>
    %swap3A_815 = arith.constant 1 : i32
    %swap3A_816 = arith.index_cast %swap3A_815 : i32 to index
    %swap3A_817 = arith.constant 0 : index
    %swap3A_818 = tpu.vector_load %arg10[%swap3A_816, %swap3A_817] {strides = array<i32>} : memref<4x128xf32, #tpu.memory_space<vmem>>, vector<16xf32>,
    tpu.vector_store %arg10[%swap3A_816, %swap3A_817], %add3A_814 {strides = array<i32>} : memref<4x128xf32, #tpu.memory_space<vmem>>, vector<16xf32>,
    %get3A_819 = arith.constant 1 : i32
    %get3A_820 = arith.index_cast %get3A_819 : i32 to index
    %get3A_821 = arith.constant 16 : index
    %get3A_822 = tpu.vector_load %arg10[%get3A_820, %get3A_821] {strides = array<i32>} : memref<4x128xf32, #tpu.memory_space<vmem>>, vector<16xf32>,
    %get3A_823 = arith.constant 144 : index
    %get3A_824 = tpu.vector_load %arg11[%get3A_823] {strides = array<i32>} : memref<512xf32, #tpu.memory_space<vmem>>, vector<16xf32>,
    %add3A_825 = arith.addf %get3A_822, %get3A_824 : vector<16xf32>
    %swap3A_826 = arith.constant 1 : i32
    %swap3A_827 = arith.index_cast %swap3A_826 : i32 to index
    %swap3A_828 = arith.constant 16 : index
    %swap3A_829 = tpu.vector_load %arg10[%swap3A_827, %swap3A_828] {strides = array<i32>} : memref<4x128xf32, #tpu.memory_space<vmem>>, vector<16xf32>,
    tpu.vector_store %arg10[%swap3A_827, %swap3A_828], %add3A_825 {strides = array<i32>} : memref<4x128xf32, #tpu.memory_space<vmem>>, vector<16xf32>,
    %get3A_830 = arith.constant 1 : i32
    %get3A_831 = arith.index_cast %get3A_830 : i32 to index
    %get3A_832 = arith.constant 32 : index
    %get3A_833 = tpu.vector_load %arg10[%get3A_831, %get3A_832] {strides = array<i32>} : memref<4x128xf32, #tpu.memory_space<vmem>>, vector<16xf32>,
    %get3A_834 = arith.constant 160 : index
    %get3A_835 = tpu.vector_load %arg11[%get3A_834] {strides = array<i32>} : memref<512xf32, #tpu.memory_space<vmem>>, vector<16xf32>,
    %add3A_836 = arith.addf %get3A_833, %get3A_835 : vector<16xf32>
    %swap3A_837 = arith.constant 1 : i32
    %swap3A_838 = arith.index_cast %swap3A_837 : i32 to index
    %swap3A_839 = arith.constant 32 : index
    %swap3A_840 = tpu.vector_load %arg10[%swap3A_838, %swap3A_839] {strides = array<i32>} : memref<4x128xf32, #tpu.memory_space<vmem>>, vector<16xf32>,
    tpu.vector_store %arg10[%swap3A_838, %swap3A_839], %add3A_836 {strides = array<i32>} : memref<4x128xf32, #tpu.memory_space<vmem>>, vector<16xf32>,
    %get3A_841 = arith.constant 1 : i32
    %get3A_842 = arith.index_cast %get3A_841 : i32 to index
    %get3A_843 = arith.constant 48 : index
    %get3A_844 = tpu.vector_load %arg10[%get3A_842, %get3A_843] {strides = array<i32>} : memref<4x128xf32, #tpu.memory_space<vmem>>, vector<16xf32>,
    %get3A_845 = arith.constant 176 : index
    %get3A_846 = tpu.vector_load %arg11[%get3A_845] {strides = array<i32>} : memref<512xf32, #tpu.memory_space<vmem>>, vector<16xf32>,
    %add3A_847 = arith.addf %get3A_844, %get3A_846 : vector<16xf32>
    %swap3A_848 = arith.constant 1 : i32
    %swap3A_849 = arith.index_cast %swap3A_848 : i32 to index
    %swap3A_850 = arith.constant 48 : index
    %swap3A_851 = tpu.vector_load %arg10[%swap3A_849, %swap3A_850] {strides = array<i32>} : memref<4x128xf32, #tpu.memory_space<vmem>>, vector<16xf32>,
    tpu.vector_store %arg10[%swap3A_849, %swap3A_850], %add3A_847 {strides = array<i32>} : memref<4x128xf32, #tpu.memory_space<vmem>>, vector<16xf32>,
    %get3A_852 = arith.constant 1 : i32
    %get3A_853 = arith.index_cast %get3A_852 : i32 to index
    %get3A_854 = arith.constant 64 : index
    %get3A_855 = tpu.vector_load %arg10[%get3A_853, %get3A_854] {strides = array<i32>} : memref<4x128xf32, #tpu.memory_space<vmem>>, vector<16xf32>,
    %get3A_856 = arith.constant 192 : index
    %get3A_857 = tpu.vector_load %arg11[%get3A_856] {strides = array<i32>} : memref<512xf32, #tpu.memory_space<vmem>>, vector<16xf32>,
    %add3A_858 = arith.addf %get3A_855, %get3A_857 : vector<16xf32>
    %swap3A_859 = arith.constant 1 : i32
    %swap3A_860 = arith.index_cast %swap3A_859 : i32 to index
    %swap3A_861 = arith.constant 64 : index
    %swap3A_862 = tpu.vector_load %arg10[%swap3A_860, %swap3A_861] {strides = array<i32>} : memref<4x128xf32, #tpu.memory_space<vmem>>, vector<16xf32>,
    tpu.vector_store %arg10[%swap3A_860, %swap3A_861], %add3A_858 {strides = array<i32>} : memref<4x128xf32, #tpu.memory_space<vmem>>, vector<16xf32>,
    %get3A_863 = arith.constant 1 : i32
    %get3A_864 = arith.index_cast %get3A_863 : i32 to index
    %get3A_865 = arith.constant 80 : index
    %get3A_866 = tpu.vector_load %arg10[%get3A_864, %get3A_865] {strides = array<i32>} : memref<4x128xf32, #tpu.memory_space<vmem>>, vector<16xf32>,
    %get3A_867 = arith.constant 208 : index
    %get3A_868 = tpu.vector_load %arg11[%get3A_867] {strides = array<i32>} : memref<512xf32, #tpu.memory_space<vmem>>, vector<16xf32>,
    %add3A_869 = arith.addf %get3A_866, %get3A_868 : vector<16xf32>
    %swap3A_870 = arith.constant 1 : i32
    %swap3A_871 = arith.index_cast %swap3A_870 : i32 to index
    %swap3A_872 = arith.constant 80 : index
    %swap3A_873 = tpu.vector_load %arg10[%swap3A_871, %swap3A_872] {strides = array<i32>} : memref<4x128xf32, #tpu.memory_space<vmem>>, vector<16xf32>,
    tpu.vector_store %arg10[%swap3A_871, %swap3A_872], %add3A_869 {strides = array<i32>} : memref<4x128xf32, #tpu.memory_space<vmem>>, vector<16xf32>,
    %get3A_874 = arith.constant 1 : i32
    %get3A_875 = arith.index_cast %get3A_874 : i32 to index
    %get3A_876 = arith.constant 96 : index
    %get3A_877 = tpu.vector_load %arg10[%get3A_875, %get3A_876] {strides = array<i32>} : memref<4x128xf32, #tpu.memory_space<vmem>>, vector<16xf32>,
    %get3A_878 = arith.constant 224 : index
    %get3A_879 = tpu.vector_load %arg11[%get3A_878] {strides = array<i32>} : memref<512xf32, #tpu.memory_space<vmem>>, vector<16xf32>,
    %add3A_880 = arith.addf %get3A_877, %get3A_879 : vector<16xf32>
    %swap3A_881 = arith.constant 1 : i32
    %swap3A_882 = arith.index_cast %swap3A_881 : i32 to index
    %swap3A_883 = arith.constant 96 : index
    %swap3A_884 = tpu.vector_load %arg10[%swap3A_882, %swap3A_883] {strides = array<i32>} : memref<4x128xf32, #tpu.memory_space<vmem>>, vector<16xf32>,
    tpu.vector_store %arg10[%swap3A_882, %swap3A_883], %add3A_880 {strides = array<i32>} : memref<4x128xf32, #tpu.memory_space<vmem>>, vector<16xf32>,
    %get3A_885 = arith.constant 1 : i32
    %get3A_886 = arith.index_cast %get3A_885 : i32 to index
    %get3A_887 = arith.constant 112 : index
    %get3A_888 = tpu.vector_load %arg10[%get3A_886, %get3A_887] {strides = array<i32>} : memref<4x128xf32, #tpu.memory_space<vmem>>, vector<16xf32>,
    %get3A_889 = arith.constant 240 : index
    %get3A_890 = tpu.vector_load %arg11[%get3A_889] {strides = array<i32>} : memref<512xf32, #tpu.memory_space<vmem>>, vector<16xf32>,
    %add3A_891 = arith.addf %get3A_888, %get3A_890 : vector<16xf32>
    %swap3A_892 = arith.constant 1 : i32
    %swap3A_893 = arith.index_cast %swap3A_892 : i32 to index
    %swap3A_894 = arith.constant 112 : index
    %swap3A_895 = tpu.vector_load %arg10[%swap3A_893, %swap3A_894] {strides = array<i32>} : memref<4x128xf32, #tpu.memory_space<vmem>>, vector<16xf32>,
    tpu.vector_store %arg10[%swap3A_893, %swap3A_894], %add3A_891 {strides = array<i32>} : memref<4x128xf32, #tpu.memory_space<vmem>>, vector<16xf32>,
    %get3A_896 = arith.constant 2 : i32
    %get3A_897 = arith.index_cast %get3A_896 : i32 to index
    %get3A_898 = arith.constant 0 : index
    %get3A_899 = tpu.vector_load %arg10[%get3A_897, %get3A_898] {strides = array<i32>} : memref<4x128xf32, #tpu.memory_space<vmem>>, vector<16xf32>,
    %get3A_900 = arith.constant 256 : index
    %get3A_901 = tpu.vector_load %arg11[%get3A_900] {strides = array<i32>} : memref<512xf32, #tpu.memory_space<vmem>>, vector<16xf32>,
    %add3A_902 = arith.addf %get3A_899, %get3A_901 : vector<16xf32>
    %swap3A_903 = arith.constant 2 : i32
    %swap3A_904 = arith.index_cast %swap3A_903 : i32 to index
    %swap3A_905 = arith.constant 0 : index
    %swap3A_906 = tpu.vector_load %arg10[%swap3A_904, %swap3A_905] {strides = array<i32>} : memref<4x128xf32, #tpu.memory_space<vmem>>, vector<16xf32>,
    tpu.vector_store %arg10[%swap3A_904, %swap3A_905], %add3A_902 {strides = array<i32>} : memref<4x128xf32, #tpu.memory_space<vmem>>, vector<16xf32>,
    %get3A_907 = arith.constant 2 : i32
    %get3A_908 = arith.index_cast %get3A_907 : i32 to index
    %get3A_909 = arith.constant 16 : index
    %get3A_910 = tpu.vector_load %arg10[%get3A_908, %get3A_909] {strides = array<i32>} : memref<4x128xf32, #tpu.memory_space<vmem>>, vector<16xf32>,
    %get3A_911 = arith.constant 272 : index
    %get3A_912 = tpu.vector_load %arg11[%get3A_911] {strides = array<i32>} : memref<512xf32, #tpu.memory_space<vmem>>, vector<16xf32>,
    %add3A_913 = arith.addf %get3A_910, %get3A_912 : vector<16xf32>
    %swap3A_914 = arith.constant 2 : i32
    %swap3A_915 = arith.index_cast %swap3A_914 : i32 to index
    %swap3A_916 = arith.constant 16 : index
    %swap3A_917 = tpu.vector_load %arg10[%swap3A_915, %swap3A_916] {strides = array<i32>} : memref<4x128xf32, #tpu.memory_space<vmem>>, vector<16xf32>,
    tpu.vector_store %arg10[%swap3A_915, %swap3A_916], %add3A_913 {strides = array<i32>} : memref<4x128xf32, #tpu.memory_space<vmem>>, vector<16xf32>,
    %get3A_918 = arith.constant 2 : i32
    %get3A_919 = arith.index_cast %get3A_918 : i32 to index
    %get3A_920 = arith.constant 32 : index
    %get3A_921 = tpu.vector_load %arg10[%get3A_919, %get3A_920] {strides = array<i32>} : memref<4x128xf32, #tpu.memory_space<vmem>>, vector<16xf32>,
    %get3A_922 = arith.constant 288 : index
    %get3A_923 = tpu.vector_load %arg11[%get3A_922] {strides = array<i32>} : memref<512xf32, #tpu.memory_space<vmem>>, vector<16xf32>,
    %add3A_924 = arith.addf %get3A_921, %get3A_923 : vector<16xf32>
    %swap3A_925 = arith.constant 2 : i32
    %swap3A_926 = arith.index_cast %swap3A_925 : i32 to index
    %swap3A_927 = arith.constant 32 : index
    %swap3A_928 = tpu.vector_load %arg10[%swap3A_926, %swap3A_927] {strides = array<i32>} : memref<4x128xf32, #tpu.memory_space<vmem>>, vector<16xf32>,
    tpu.vector_store %arg10[%swap3A_926, %swap3A_927], %add3A_924 {strides = array<i32>} : memref<4x128xf32, #tpu.memory_space<vmem>>, vector<16xf32>,
    %get3A_929 = arith.constant 2 : i32
    %get3A_930 = arith.index_cast %get3A_929 : i32 to index
    %get3A_931 = arith.constant 48 : index
    %get3A_932 = tpu.vector_load %arg10[%get3A_930, %get3A_931] {strides = array<i32>} : memref<4x128xf32, #tpu.memory_space<vmem>>, vector<16xf32>,
    %get3A_933 = arith.constant 304 : index
    %get3A_934 = tpu.vector_load %arg11[%get3A_933] {strides = array<i32>} : memref<512xf32, #tpu.memory_space<vmem>>, vector<16xf32>,
    %add3A_935 = arith.addf %get3A_932, %get3A_934 : vector<16xf32>
    %swap3A_936 = arith.constant 2 : i32
    %swap3A_937 = arith.index_cast %swap3A_936 : i32 to index
    %swap3A_938 = arith.constant 48 : index
    %swap3A_939 = tpu.vector_load %arg10[%swap3A_937, %swap3A_938] {strides = array<i32>} : memref<4x128xf32, #tpu.memory_space<vmem>>, vector<16xf32>,
    tpu.vector_store %arg10[%swap3A_937, %swap3A_938], %add3A_935 {strides = array<i32>} : memref<4x128xf32, #tpu.memory_space<vmem>>, vector<16xf32>,
    %get3A_940 = arith.constant 2 : i32
    %get3A_941 = arith.index_cast %get3A_940 : i32 to index
    %get3A_942 = arith.constant 64 : index
    %get3A_943 = tpu.vector_load %arg10[%get3A_941, %get3A_942] {strides = array<i32>} : memref<4x128xf32, #tpu.memory_space<vmem>>, vector<16xf32>,
    %get3A_944 = arith.constant 320 : index
    %get3A_945 = tpu.vector_load %arg11[%get3A_944] {strides = array<i32>} : memref<512xf32, #tpu.memory_space<vmem>>, vector<16xf32>,
    %add3A_946 = arith.addf %get3A_943, %get3A_945 : vector<16xf32>
    %swap3A_947 = arith.constant 2 : i32
    %swap3A_948 = arith.index_cast %swap3A_947 : i32 to index
    %swap3A_949 = arith.constant 64 : index
    %swap3A_950 = tpu.vector_load %arg10[%swap3A_948, %swap3A_949] {strides = array<i32>} : memref<4x128xf32, #tpu.memory_space<vmem>>, vector<16xf32>,
    tpu.vector_store %arg10[%swap3A_948, %swap3A_949], %add3A_946 {strides = array<i32>} : memref<4x128xf32, #tpu.memory_space<vmem>>, vector<16xf32>,
    %get3A_951 = arith.constant 2 : i32
    %get3A_952 = arith.index_cast %get3A_951 : i32 to index
    %get3A_953 = arith.constant 80 : index
    %get3A_954 = tpu.vector_load %arg10[%get3A_952, %get3A_953] {strides = array<i32>} : memref<4x128xf32, #tpu.memory_space<vmem>>, vector<16xf32>,
    %get3A_955 = arith.constant 336 : index
    %get3A_956 = tpu.vector_load %arg11[%get3A_955] {strides = array<i32>} : memref<512xf32, #tpu.memory_space<vmem>>, vector<16xf32>,
    %add3A_957 = arith.addf %get3A_954, %get3A_956 : vector<16xf32>
    %swap3A_958 = arith.constant 2 : i32
    %swap3A_959 = arith.index_cast %swap3A_958 : i32 to index
    %swap3A_960 = arith.constant 80 : index
    %swap3A_961 = tpu.vector_load %arg10[%swap3A_959, %swap3A_960] {strides = array<i32>} : memref<4x128xf32, #tpu.memory_space<vmem>>, vector<16xf32>,
    tpu.vector_store %arg10[%swap3A_959, %swap3A_960], %add3A_957 {strides = array<i32>} : memref<4x128xf32, #tpu.memory_space<vmem>>, vector<16xf32>,
    %get3A_962 = arith.constant 2 : i32
    %get3A_963 = arith.index_cast %get3A_962 : i32 to index
    %get3A_964 = arith.constant 96 : index
    %get3A_965 = tpu.vector_load %arg10[%get3A_963, %get3A_964] {strides = array<i32>} : memref<4x128xf32, #tpu.memory_space<vmem>>, vector<16xf32>,
    %get3A_966 = arith.constant 352 : index
    %get3A_967 = tpu.vector_load %arg11[%get3A_966] {strides = array<i32>} : memref<512xf32, #tpu.memory_space<vmem>>, vector<16xf32>,
    %add3A_968 = arith.addf %get3A_965, %get3A_967 : vector<16xf32>
    %swap3A_969 = arith.constant 2 : i32
    %swap3A_970 = arith.index_cast %swap3A_969 : i32 to index
    %swap3A_971 = arith.constant 96 : index
    %swap3A_972 = tpu.vector_load %arg10[%swap3A_970, %swap3A_971] {strides = array<i32>} : memref<4x128xf32, #tpu.memory_space<vmem>>, vector<16xf32>,
    tpu.vector_store %arg10[%swap3A_970, %swap3A_971], %add3A_968 {strides = array<i32>} : memref<4x128xf32, #tpu.memory_space<vmem>>, vector<16xf32>,
    %get3A_973 = arith.constant 2 : i32
    %get3A_974 = arith.index_cast %get3A_973 : i32 to index
    %get3A_975 = arith.constant 112 : index
    %get3A_976 = tpu.vector_load %arg10[%get3A_974, %get3A_975] {strides = array<i32>} : memref<4x128xf32, #tpu.memory_space<vmem>>, vector<16xf32>,
    %get3A_977 = arith.constant 368 : index
    %get3A_978 = tpu.vector_load %arg11[%get3A_977] {strides = array<i32>} : memref<512xf32, #tpu.memory_space<vmem>>, vector<16xf32>,
    %add3A_979 = arith.addf %get3A_976, %get3A_978 : vector<16xf32>
    %swap3A_980 = arith.constant 2 : i32
    %swap3A_981 = arith.index_cast %swap3A_980 : i32 to index
    %swap3A_982 = arith.constant 112 : index
    %swap3A_983 = tpu.vector_load %arg10[%swap3A_981, %swap3A_982] {strides = array<i32>} : memref<4x128xf32, #tpu.memory_space<vmem>>, vector<16xf32>,
    tpu.vector_store %arg10[%swap3A_981, %swap3A_982], %add3A_979 {strides = array<i32>} : memref<4x128xf32, #tpu.memory_space<vmem>>, vector<16xf32>,
    %get3A_984 = arith.constant 3 : i32
    %get3A_985 = arith.index_cast %get3A_984 : i32 to index
    %get3A_986 = arith.constant 0 : index
    %get3A_987 = tpu.vector_load %arg10[%get3A_985, %get3A_986] {strides = array<i32>} : memref<4x128xf32, #tpu.memory_space<vmem>>, vector<16xf32>,
    %get3A_988 = arith.constant 384 : index
    %get3A_989 = tpu.vector_load %arg11[%get3A_988] {strides = array<i32>} : memref<512xf32, #tpu.memory_space<vmem>>, vector<16xf32>,
    %add3A_990 = arith.addf %get3A_987, %get3A_989 : vector<16xf32>
    %swap3A_991 = arith.constant 3 : i32
    %swap3A_992 = arith.index_cast %swap3A_991 : i32 to index
    %swap3A_993 = arith.constant 0 : index
    %swap3A_994 = tpu.vector_load %arg10[%swap3A_992, %swap3A_993] {strides = array<i32>} : memref<4x128xf32, #tpu.memory_space<vmem>>, vector<16xf32>,
    tpu.vector_store %arg10[%swap3A_992, %swap3A_993], %add3A_990 {strides = array<i32>} : memref<4x128xf32, #tpu.memory_space<vmem>>, vector<16xf32>,
    %get3A_995 = arith.constant 3 : i32
    %get3A_996 = arith.index_cast %get3A_995 : i32 to index
    %get3A_997 = arith.constant 16 : index
    %get3A_998 = tpu.vector_load %arg10[%get3A_996, %get3A_997] {strides = array<i32>} : memref<4x128xf32, #tpu.memory_space<vmem>>, vector<16xf32>,
    %get3A_999 = arith.constant 400 : index
    %get3A_1000 = tpu.vector_load %arg11[%get3A_999] {strides = array<i32>} : memref<512xf32, #tpu.memory_space<vmem>>, vector<16xf32>,
    %add3A_1001 = arith.addf %get3A_998, %get3A_1000 : vector<16xf32>
    %swap3A_1002 = arith.constant 3 : i32
    %swap3A_1003 = arith.index_cast %swap3A_1002 : i32 to index
    %swap3A_1004 = arith.constant 16 : index
    %swap3A_1005 = tpu.vector_load %arg10[%swap3A_1003, %swap3A_1004] {strides = array<i32>} : memref<4x128xf32, #tpu.memory_space<vmem>>, vector<16xf32>,
    tpu.vector_store %arg10[%swap3A_1003, %swap3A_1004], %add3A_1001 {strides = array<i32>} : memref<4x128xf32, #tpu.memory_space<vmem>>, vector<16xf32>,
    %get3A_1006 = arith.constant 3 : i32
    %get3A_1007 = arith.index_cast %get3A_1006 : i32 to index
    %get3A_1008 = arith.constant 32 : index
    %get3A_1009 = tpu.vector_load %arg10[%get3A_1007, %get3A_1008] {strides = array<i32>} : memref<4x128xf32, #tpu.memory_space<vmem>>, vector<16xf32>,
    %get3A_1010 = arith.constant 416 : index
    %get3A_1011 = tpu.vector_load %arg11[%get3A_1010] {strides = array<i32>} : memref<512xf32, #tpu.memory_space<vmem>>, vector<16xf32>,
    %add3A_1012 = arith.addf %get3A_1009, %get3A_1011 : vector<16xf32>
    %swap3A_1013 = arith.constant 3 : i32
    %swap3A_1014 = arith.index_cast %swap3A_1013 : i32 to index
    %swap3A_1015 = arith.constant 32 : index
    %swap3A_1016 = tpu.vector_load %arg10[%swap3A_1014, %swap3A_1015] {strides = array<i32>} : memref<4x128xf32, #tpu.memory_space<vmem>>, vector<16xf32>,
    tpu.vector_store %arg10[%swap3A_1014, %swap3A_1015], %add3A_1012 {strides = array<i32>} : memref<4x128xf32, #tpu.memory_space<vmem>>, vector<16xf32>,
    %get3A_1017 = arith.constant 3 : i32
    %get3A_1018 = arith.index_cast %get3A_1017 : i32 to index
    %get3A_1019 = arith.constant 48 : index
    %get3A_1020 = tpu.vector_load %arg10[%get3A_1018, %get3A_1019] {strides = array<i32>} : memref<4x128xf32, #tpu.memory_space<vmem>>, vector<16xf32>,
    %get3A_1021 = arith.constant 432 : index
    %get3A_1022 = tpu.vector_load %arg11[%get3A_1021] {strides = array<i32>} : memref<512xf32, #tpu.memory_space<vmem>>, vector<16xf32>,
    %add3A_1023 = arith.addf %get3A_1020, %get3A_1022 : vector<16xf32>
    %swap3A_1024 = arith.constant 3 : i32
    %swap3A_1025 = arith.index_cast %swap3A_1024 : i32 to index
    %swap3A_1026 = arith.constant 48 : index
    %swap3A_1027 = tpu.vector_load %arg10[%swap3A_1025, %swap3A_1026] {strides = array<i32>} : memref<4x128xf32, #tpu.memory_space<vmem>>, vector<16xf32>,
    tpu.vector_store %arg10[%swap3A_1025, %swap3A_1026], %add3A_1023 {strides = array<i32>} : memref<4x128xf32, #tpu.memory_space<vmem>>, vector<16xf32>,
    %get3A_1028 = arith.constant 3 : i32
    %get3A_1029 = arith.index_cast %get3A_1028 : i32 to index
    %get3A_1030 = arith.constant 64 : index
    %get3A_1031 = tpu.vector_load %arg10[%get3A_1029, %get3A_1030] {strides = array<i32>} : memref<4x128xf32, #tpu.memory_space<vmem>>, vector<16xf32>,
    %get3A_1032 = arith.constant 448 : index
    %get3A_1033 = tpu.vector_load %arg11[%get3A_1032] {strides = array<i32>} : memref<512xf32, #tpu.memory_space<vmem>>, vector<16xf32>,
    %add3A_1034 = arith.addf %get3A_1031, %get3A_1033 : vector<16xf32>
    %swap3A_1035 = arith.constant 3 : i32
    %swap3A_1036 = arith.index_cast %swap3A_1035 : i32 to index
    %swap3A_1037 = arith.constant 64 : index
    %swap3A_1038 = tpu.vector_load %arg10[%swap3A_1036, %swap3A_1037] {strides = array<i32>} : memref<4x128xf32, #tpu.memory_space<vmem>>, vector<16xf32>,
    tpu.vector_store %arg10[%swap3A_1036, %swap3A_1037], %add3A_1034 {strides = array<i32>} : memref<4x128xf32, #tpu.memory_space<vmem>>, vector<16xf32>,
    %get3A_1039 = arith.constant 3 : i32
    %get3A_1040 = arith.index_cast %get3A_1039 : i32 to index
    %get3A_1041 = arith.constant 80 : index
    %get3A_1042 = tpu.vector_load %arg10[%get3A_1040, %get3A_1041] {strides = array<i32>} : memref<4x128xf32, #tpu.memory_space<vmem>>, vector<16xf32>,
    %get3A_1043 = arith.constant 464 : index
    %get3A_1044 = tpu.vector_load %arg11[%get3A_1043] {strides = array<i32>} : memref<512xf32, #tpu.memory_space<vmem>>, vector<16xf32>,
    %add3A_1045 = arith.addf %get3A_1042, %get3A_1044 : vector<16xf32>
    %swap3A_1046 = arith.constant 3 : i32
    %swap3A_1047 = arith.index_cast %swap3A_1046 : i32 to index
    %swap3A_1048 = arith.constant 80 : index
    %swap3A_1049 = tpu.vector_load %arg10[%swap3A_1047, %swap3A_1048] {strides = array<i32>} : memref<4x128xf32, #tpu.memory_space<vmem>>, vector<16xf32>,
    tpu.vector_store %arg10[%swap3A_1047, %swap3A_1048], %add3A_1045 {strides = array<i32>} : memref<4x128xf32, #tpu.memory_space<vmem>>, vector<16xf32>,
    %get3A_1050 = arith.constant 3 : i32
    %get3A_1051 = arith.index_cast %get3A_1050 : i32 to index
    %get3A_1052 = arith.constant 96 : index
    %get3A_1053 = tpu.vector_load %arg10[%get3A_1051, %get3A_1052] {strides = array<i32>} : memref<4x128xf32, #tpu.memory_space<vmem>>, vector<16xf32>,
    %get3A_1054 = arith.constant 480 : index
    %get3A_1055 = tpu.vector_load %arg11[%get3A_1054] {strides = array<i32>} : memref<512xf32, #tpu.memory_space<vmem>>, vector<16xf32>,
    %add3A_1056 = arith.addf %get3A_1053, %get3A_1055 : vector<16xf32>
    %swap3A_1057 = arith.constant 3 : i32
    %swap3A_1058 = arith.index_cast %swap3A_1057 : i32 to index
    %swap3A_1059 = arith.constant 96 : index
    %swap3A_1060 = tpu.vector_load %arg10[%swap3A_1058, %swap3A_1059] {strides = array<i32>} : memref<4x128xf32, #tpu.memory_space<vmem>>, vector<16xf32>,
    tpu.vector_store %arg10[%swap3A_1058, %swap3A_1059], %add3A_1056 {strides = array<i32>} : memref<4x128xf32, #tpu.memory_space<vmem>>, vector<16xf32>,
    %get3A_1061 = arith.constant 3 : i32
    %get3A_1062 = arith.index_cast %get3A_1061 : i32 to index
    %get3A_1063 = arith.constant 112 : index
    %get3A_1064 = tpu.vector_load %arg10[%get3A_1062, %get3A_1063] {strides = array<i32>} : memref<4x128xf32, #tpu.memory_space<vmem>>, vector<16xf32>,
    %get3A_1065 = arith.constant 496 : index
    %get3A_1066 = tpu.vector_load %arg11[%get3A_1065] {strides = array<i32>} : memref<512xf32, #tpu.memory_space<vmem>>, vector<16xf32>,
    %add3A_1067 = arith.addf %get3A_1064, %get3A_1066 : vector<16xf32>
    %swap3A_1068 = arith.constant 3 : i32
    %swap3A_1069 = arith.index_cast %swap3A_1068 : i32 to index
    %swap3A_1070 = arith.constant 112 : index
    %swap3A_1071 = tpu.vector_load %arg10[%swap3A_1069, %swap3A_1070] {strides = array<i32>} : memref<4x128xf32, #tpu.memory_space<vmem>>, vector<16xf32>,
    tpu.vector_store %arg10[%swap3A_1069, %swap3A_1070], %add3A_1067 {strides = array<i32>} : memref<4x128xf32, #tpu.memory_space<vmem>>, vector<16xf32>,
    %run_scoped3A = arith.constant 0 : i32
    %run_scoped3A_1072 = arith.constant 0 : i32
    "tpu.region"() ({
      %run_scoped3A_1079 = tpu.sem_alloc : memref<!tpu.dma_semaphore, #tpu.memory_space<semaphore_mem>>
      %dma_start3A_1080 = arith.constant 0 : i32
      %dma_start3A_1081 = tpu.memref_slice %arg10[%run_scoped3A, %dma_start3A_1080] : memref<4x128xf32, #tpu.memory_space<vmem>> -> memref<1x128xf32, #tpu.memory_space<vmem>>
      %dma_start3A_1082 = tpu.memref_squeeze %dma_start3A_1081 : memref<1x128xf32, #tpu.memory_space<vmem>> -> memref<128xf32, #tpu.memory_space<vmem>>
      %dma_start3A_1083 = arith.constant 0 : i32
      %dma_start3A_1084 = tpu.memref_slice %arg9[%run_scoped3A_1072, %dma_start3A_1083] : memref<4x128xi32, #tpu.memory_space<vmem>> -> memref<1x128xi32, #tpu.memory_space<vmem>>
      %dma_start3A_1085 = tpu.memref_squeeze %dma_start3A_1084 : memref<1x128xi32, #tpu.memory_space<vmem>> -> memref<128xi32, #tpu.memory_space<vmem>>
      %dma_start3A_1086 = arith.constant 0 : i32
      %dma_start3A_1087 = tpu.memref_slice %arg2[%dma_start3A_1086] : memref<67108864xf32, #tpu.memory_space<hbm>> -> memref<67108864xf32, #tpu.memory_space<hbm>>
      tpu.enqueue_indirect_dma source(%dma_start3A_1082 : memref<128xf32, #tpu.memory_space<vmem>>) target(%dma_start3A_1087 : memref<67108864xf32, #tpu.memory_space<hbm>>) offsets(%dma_start3A_1085 : memref<128xi32, #tpu.memory_space<vmem>>) semaphore(%run_scoped3A_1079 : memref<!tpu.dma_semaphore, #tpu.memory_space<semaphore_mem>>)
      %dma_wait3A_1088 = arith.constant 0 : i32
      %dma_wait3A_1089 = tpu.memref_slice %arg10[%run_scoped3A, %dma_wait3A_1088] : memref<4x128xf32, #tpu.memory_space<vmem>> -> memref<1x128xf32, #tpu.memory_space<vmem>>
      %dma_wait3A_1090 = tpu.memref_squeeze %dma_wait3A_1089 : memref<1x128xf32, #tpu.memory_space<vmem>> -> memref<128xf32, #tpu.memory_space<vmem>>
      %dma_wait3A_1091 = arith.constant 0 : i32
      %dma_wait3A_1092 = tpu.memref_slice %arg9[%run_scoped3A_1072, %dma_wait3A_1091] : memref<4x128xi32, #tpu.memory_space<vmem>> -> memref<1x128xi32, #tpu.memory_space<vmem>>
      %dma_wait3A_1093 = tpu.memref_squeeze %dma_wait3A_1092 : memref<1x128xi32, #tpu.memory_space<vmem>> -> memref<128xi32, #tpu.memory_space<vmem>>
      %dma_wait3A_1094 = arith.constant 0 : i32
      %dma_wait3A_1095 = tpu.memref_slice %arg2[%dma_wait3A_1094] : memref<67108864xf32, #tpu.memory_space<hbm>> -> memref<67108864xf32, #tpu.memory_space<hbm>>
      tpu.wait_indirect_dma semaphore(%run_scoped3A_1079 : memref<!tpu.dma_semaphore, #tpu.memory_space<semaphore_mem>>) src(%dma_wait3A_1090 : memref<128xf32, #tpu.memory_space<vmem>>) dst(%dma_wait3A_1095 : memref<67108864xf32, #tpu.memory_space<hbm>>)
      tpu.yield
    }) : () -> ()
    %run_scoped3A_1073 = arith.constant 1 : i32
    %run_scoped3A_1074 = arith.constant 1 : i32
    "tpu.region"() ({
      %run_scoped3A_1079 = tpu.sem_alloc : memref<!tpu.dma_semaphore, #tpu.memory_space<semaphore_mem>>
      %dma_start3A_1080 = arith.constant 0 : i32
      %dma_start3A_1081 = tpu.memref_slice %arg10[%run_scoped3A_1073, %dma_start3A_1080] : memref<4x128xf32, #tpu.memory_space<vmem>> -> memref<1x128xf32, #tpu.memory_space<vmem>>
      %dma_start3A_1082 = tpu.memref_squeeze %dma_start3A_1081 : memref<1x128xf32, #tpu.memory_space<vmem>> -> memref<128xf32, #tpu.memory_space<vmem>>
      %dma_start3A_1083 = arith.constant 0 : i32
      %dma_start3A_1084 = tpu.memref_slice %arg9[%run_scoped3A_1074, %dma_start3A_1083] : memref<4x128xi32, #tpu.memory_space<vmem>> -> memref<1x128xi32, #tpu.memory_space<vmem>>
      %dma_start3A_1085 = tpu.memref_squeeze %dma_start3A_1084 : memref<1x128xi32, #tpu.memory_space<vmem>> -> memref<128xi32, #tpu.memory_space<vmem>>
      %dma_start3A_1086 = arith.constant 0 : i32
      %dma_start3A_1087 = tpu.memref_slice %arg2[%dma_start3A_1086] : memref<67108864xf32, #tpu.memory_space<hbm>> -> memref<67108864xf32, #tpu.memory_space<hbm>>
      tpu.enqueue_indirect_dma source(%dma_start3A_1082 : memref<128xf32, #tpu.memory_space<vmem>>) target(%dma_start3A_1087 : memref<67108864xf32, #tpu.memory_space<hbm>>) offsets(%dma_start3A_1085 : memref<128xi32, #tpu.memory_space<vmem>>) semaphore(%run_scoped3A_1079 : memref<!tpu.dma_semaphore, #tpu.memory_space<semaphore_mem>>)
      %dma_wait3A_1088 = arith.constant 0 : i32
      %dma_wait3A_1089 = tpu.memref_slice %arg10[%run_scoped3A_1073, %dma_wait3A_1088] : memref<4x128xf32, #tpu.memory_space<vmem>> -> memref<1x128xf32, #tpu.memory_space<vmem>>
      %dma_wait3A_1090 = tpu.memref_squeeze %dma_wait3A_1089 : memref<1x128xf32, #tpu.memory_space<vmem>> -> memref<128xf32, #tpu.memory_space<vmem>>
      %dma_wait3A_1091 = arith.constant 0 : i32
      %dma_wait3A_1092 = tpu.memref_slice %arg9[%run_scoped3A_1074, %dma_wait3A_1091] : memref<4x128xi32, #tpu.memory_space<vmem>> -> memref<1x128xi32, #tpu.memory_space<vmem>>
      %dma_wait3A_1093 = tpu.memref_squeeze %dma_wait3A_1092 : memref<1x128xi32, #tpu.memory_space<vmem>> -> memref<128xi32, #tpu.memory_space<vmem>>
      %dma_wait3A_1094 = arith.constant 0 : i32
      %dma_wait3A_1095 = tpu.memref_slice %arg2[%dma_wait3A_1094] : memref<67108864xf32, #tpu.memory_space<hbm>> -> memref<67108864xf32, #tpu.memory_space<hbm>>
      tpu.wait_indirect_dma semaphore(%run_scoped3A_1079 : memref<!tpu.dma_semaphore, #tpu.memory_space<semaphore_mem>>) src(%dma_wait3A_1090 : memref<128xf32, #tpu.memory_space<vmem>>) dst(%dma_wait3A_1095 : memref<67108864xf32, #tpu.memory_space<hbm>>)
      tpu.yield
    }) : () -> ()
    %run_scoped3A_1075 = arith.constant 2 : i32
    %run_scoped3A_1076 = arith.constant 2 : i32
    "tpu.region"() ({
      %run_scoped3A_1079 = tpu.sem_alloc : memref<!tpu.dma_semaphore, #tpu.memory_space<semaphore_mem>>
      %dma_start3A_1080 = arith.constant 0 : i32
      %dma_start3A_1081 = tpu.memref_slice %arg10[%run_scoped3A_1075, %dma_start3A_1080] : memref<4x128xf32, #tpu.memory_space<vmem>> -> memref<1x128xf32, #tpu.memory_space<vmem>>
      %dma_start3A_1082 = tpu.memref_squeeze %dma_start3A_1081 : memref<1x128xf32, #tpu.memory_space<vmem>> -> memref<128xf32, #tpu.memory_space<vmem>>
      %dma_start3A_1083 = arith.constant 0 : i32
      %dma_start3A_1084 = tpu.memref_slice %arg9[%run_scoped3A_1076, %dma_start3A_1083] : memref<4x128xi32, #tpu.memory_space<vmem>> -> memref<1x128xi32, #tpu.memory_space<vmem>>
      %dma_start3A_1085 = tpu.memref_squeeze %dma_start3A_1084 : memref<1x128xi32, #tpu.memory_space<vmem>> -> memref<128xi32, #tpu.memory_space<vmem>>
      %dma_start3A_1086 = arith.constant 0 : i32
      %dma_start3A_1087 = tpu.memref_slice %arg2[%dma_start3A_1086] : memref<67108864xf32, #tpu.memory_space<hbm>> -> memref<67108864xf32, #tpu.memory_space<hbm>>
      tpu.enqueue_indirect_dma source(%dma_start3A_1082 : memref<128xf32, #tpu.memory_space<vmem>>) target(%dma_start3A_1087 : memref<67108864xf32, #tpu.memory_space<hbm>>) offsets(%dma_start3A_1085 : memref<128xi32, #tpu.memory_space<vmem>>) semaphore(%run_scoped3A_1079 : memref<!tpu.dma_semaphore, #tpu.memory_space<semaphore_mem>>)
      %dma_wait3A_1088 = arith.constant 0 : i32
      %dma_wait3A_1089 = tpu.memref_slice %arg10[%run_scoped3A_1075, %dma_wait3A_1088] : memref<4x128xf32, #tpu.memory_space<vmem>> -> memref<1x128xf32, #tpu.memory_space<vmem>>
      %dma_wait3A_1090 = tpu.memref_squeeze %dma_wait3A_1089 : memref<1x128xf32, #tpu.memory_space<vmem>> -> memref<128xf32, #tpu.memory_space<vmem>>
      %dma_wait3A_1091 = arith.constant 0 : i32
      %dma_wait3A_1092 = tpu.memref_slice %arg9[%run_scoped3A_1076, %dma_wait3A_1091] : memref<4x128xi32, #tpu.memory_space<vmem>> -> memref<1x128xi32, #tpu.memory_space<vmem>>
      %dma_wait3A_1093 = tpu.memref_squeeze %dma_wait3A_1092 : memref<1x128xi32, #tpu.memory_space<vmem>> -> memref<128xi32, #tpu.memory_space<vmem>>
      %dma_wait3A_1094 = arith.constant 0 : i32
      %dma_wait3A_1095 = tpu.memref_slice %arg2[%dma_wait3A_1094] : memref<67108864xf32, #tpu.memory_space<hbm>> -> memref<67108864xf32, #tpu.memory_space<hbm>>
      tpu.wait_indirect_dma semaphore(%run_scoped3A_1079 : memref<!tpu.dma_semaphore, #tpu.memory_space<semaphore_mem>>) src(%dma_wait3A_1090 : memref<128xf32, #tpu.memory_space<vmem>>) dst(%dma_wait3A_1095 : memref<67108864xf32, #tpu.memory_space<hbm>>)
      tpu.yield
    }) : () -> ()
    %run_scoped3A_1077 = arith.constant 3 : i32
    %run_scoped3A_1078 = arith.constant 3 : i32
    "tpu.region"() ({
      %run_scoped3A_1079 = tpu.sem_alloc : memref<!tpu.dma_semaphore, #tpu.memory_space<semaphore_mem>>
      %dma_start3A_1080 = arith.constant 0 : i32
      %dma_start3A_1081 = tpu.memref_slice %arg10[%run_scoped3A_1077, %dma_start3A_1080] : memref<4x128xf32, #tpu.memory_space<vmem>> -> memref<1x128xf32, #tpu.memory_space<vmem>>
      %dma_start3A_1082 = tpu.memref_squeeze %dma_start3A_1081 : memref<1x128xf32, #tpu.memory_space<vmem>> -> memref<128xf32, #tpu.memory_space<vmem>>
      %dma_start3A_1083 = arith.constant 0 : i32
      %dma_start3A_1084 = tpu.memref_slice %arg9[%run_scoped3A_1078, %dma_start3A_1083] : memref<4x128xi32, #tpu.memory_space<vmem>> -> memref<1x128xi32, #tpu.memory_space<vmem>>
      %dma_start3A_1085 = tpu.memref_squeeze %dma_start3A_1084 : memref<1x128xi32, #tpu.memory_space<vmem>> -> memref<128xi32, #tpu.memory_space<vmem>>
      %dma_start3A_1086 = arith.constant 0 : i32
      %dma_start3A_1087 = tpu.memref_slice %arg2[%dma_start3A_1086] : memref<67108864xf32, #tpu.memory_space<hbm>> -> memref<67108864xf32, #tpu.memory_space<hbm>>
      tpu.enqueue_indirect_dma source(%dma_start3A_1082 : memref<128xf32, #tpu.memory_space<vmem>>) target(%dma_start3A_1087 : memref<67108864xf32, #tpu.memory_space<hbm>>) offsets(%dma_start3A_1085 : memref<128xi32, #tpu.memory_space<vmem>>) semaphore(%run_scoped3A_1079 : memref<!tpu.dma_semaphore, #tpu.memory_space<semaphore_mem>>)
      %dma_wait3A_1088 = arith.constant 0 : i32
      %dma_wait3A_1089 = tpu.memref_slice %arg10[%run_scoped3A_1077, %dma_wait3A_1088] : memref<4x128xf32, #tpu.memory_space<vmem>> -> memref<1x128xf32, #tpu.memory_space<vmem>>
      %dma_wait3A_1090 = tpu.memref_squeeze %dma_wait3A_1089 : memref<1x128xf32, #tpu.memory_space<vmem>> -> memref<128xf32, #tpu.memory_space<vmem>>
      %dma_wait3A_1091 = arith.constant 0 : i32
      %dma_wait3A_1092 = tpu.memref_slice %arg9[%run_scoped3A_1078, %dma_wait3A_1091] : memref<4x128xi32, #tpu.memory_space<vmem>> -> memref<1x128xi32, #tpu.memory_space<vmem>>
      %dma_wait3A_1093 = tpu.memref_squeeze %dma_wait3A_1092 : memref<1x128xi32, #tpu.memory_space<vmem>> -> memref<128xi32, #tpu.memory_space<vmem>>
      %dma_wait3A_1094 = arith.constant 0 : i32
      %dma_wait3A_1095 = tpu.memref_slice %arg2[%dma_wait3A_1094] : memref<67108864xf32, #tpu.memory_space<hbm>> -> memref<67108864xf32, #tpu.memory_space<hbm>>
      tpu.wait_indirect_dma semaphore(%run_scoped3A_1079 : memref<!tpu.dma_semaphore, #tpu.memory_space<semaphore_mem>>) src(%dma_wait3A_1090 : memref<128xf32, #tpu.memory_space<vmem>>) dst(%dma_wait3A_1095 : memref<67108864xf32, #tpu.memory_space<hbm>>)
      tpu.yield
    }) : () -> ()
    return
  }
}

module attributes {stable_mosaic.version = 14 : i64} {
  func.func @_copy_body(%arg0: i32, %arg1: memref<2097152xf32, #tpu.memory_space<vmem>>, %arg2: memref<2097152xf32, #tpu.memory_space<vmem>>) attributes {dimension_semantics = [#tpu.dimension_semantics<arbitrary>], iteration_bounds = array<i64: 32>, scalar_prefetch = 0 : i64, scratch_operands = 0 : i64, tpu.core_type = #tpu.core_type<tc>, window_params = [{transform_indices = @transform_0, window_bounds = array<i64: 2097152>}, {transform_indices = @transform_1, window_bounds = array<i64: 2097152>}]} {
    %get3A = arith.constant 0 : index
    %get3A_0 = vector.load %arg1[%get3A] : memref<2097152xf32, #tpu.memory_space<vmem>>, vector<2097152xf32>
    %swap3A = arith.constant 0 : index
    %swap3A_1 = vector.load %arg2[%swap3A] : memref<2097152xf32, #tpu.memory_space<vmem>>, vector<2097152xf32>
    tpu.vector_store %arg2[%swap3A], %get3A_0 {strides = array<i32>} : memref<2097152xf32, #tpu.memory_space<vmem>>, vector<2097152xf32>,
    return
  }
  func.func @transform_0(%arg0: i32) -> i32 {
    %c0_i32 = arith.constant 0 : i32
    return %arg0 : i32
  }
  func.func @transform_1(%arg0: i32) -> i32 {
    %c0_i32 = arith.constant 0 : i32
    return %arg0 : i32
  }
}

</mosaic_0001>

<sc_bundles>
// kernel: kernel.4.cloned.1.call-start
scs
__scs_entry_jumppad:
0x0: {  	(pc) =	sbr.rel $0x88, $3  }
0x1: {  	(tag) =	ssettag $0x0;
	lr =	simm.s32 $0x1  }
0x2: {  	[smem:$0x3F9D] =	sst lr;
	_ =	strace $0xD0000000  }
0x3: {  	_ = 	snop  }
0x4: {  	_ = 	snop  }
0x5: {  	_ = 	snop  }
0x6: {  	_ = 	snop  }
0x7: {  	_ = 	snop  }
__scs_overlays_trampoline_lowered:
0x8: {  	[smem:$0x3FAC] =	sst s0  }
0x9: {  	[smem:$0x3FAD] =	sst s1  }
0xa: {  	[smem:$0x3FAE] =	sst s2  }
0xb: {  	[smem:$0x3FAF] =	sst s3  }
0xc: {  	[smem:$0x3FB0] =	sst s4  }
0xd: {  	[smem:$0x3FB1] =	sst s5  }
0xe: {  	[smem:$0x3FB2] =	sst s6  }
0xf: {  	[smem:$0x3FB3] =	sst s7  }
0x10: {  	[smem:$0x3FB4] =	sst s8  }
0x11: {  	[smem:$0x3FB5] =	sst s9;
	s0 =	simm.s32 @!p0 $0x0  }
0x12: {  	s1 =	sld [smem:$0x3F9B];
	s0 =	simm.s32 @p0 $0x1  }
0x13: {  	[smem:$0x3FB6] =	sst s0;
	s0 =	simm.s32 @!p1 $0x0  }
0x14: {  	s2 =	sld [smem:$0x3F9A];
	s0 =	simm.s32 @p1 $0x1  }
0x15: {  	[smem:$0x3FB7] =	sst s0;
	s0 =	simm.s32 @!p2 $0x0  }
0x16: {  	s3 =	sld [smem:$0x3FDB];
	s0 =	simm.s32 @p2 $0x1  }
0x17: {  	s4 =	simm.s32 $0x1BF5;
	[smem:$0x3FB9] =	sst s0  }
0x18: {  	s0 =	sld [smem:$0x3F9C];
	_ =	swait.ge [sflag:s4], $0x0  }
0x19: {  	s7 =	sld [smem:$0x3F9D]  }
0x1a: {  	s8 =	sadd.s32 $0xFFFFE003, lr  }
0x1b: {  	s9 =	sadd.s32 $0xFFFFFEF7, lr;
	s5 =	simm.s32 $0xFFFFFFFF;
	p2 =	slt.u32 s8, $0xFFFFF086  }
0x1c: {  	p1 =	slt.u32 s9, $0xF7A;
	s5 =	simm.s32 @!p2 $0x0  }
0x1d: {  	s5 =	simm.s32 @p1 $0x1;
	p0 =	seq.s32 s7, s2  }
0x1e: {  	s7 =	smul.u32 @!p0 $0xF7A, s2;
	p2 =	seq.s32 @!p0 s5, $0x0  }
0x1f: {  	s9 =	smul.u32 $0xF7A, s1;
	s8 =	simm.s32 @!p0 $0x1BF5;
	p2 =	por !p2, p0  }
0x20: {  	[sflag:s8] =	ssyncset.s32 @!p0 $0xFFFFF086;
	s6 =	sadd.s32 @!p0 s3, s7;
	s7 =	simm.s32 @!p0 $0x108  }
0x21: {  	s3 =	sadd.s32 s3, s9;
	s6 =	sadd.s32 @!p0 $0x88, s6;
	s7 =	simm.s32 @p2 $0x1082  }
0x22: {  	[simem:s7], [sflag:s8] =	dma.local @!p0 [hbm:s6], $0xF7A  }
0x23: {  	s9 =	sor.u32 $0xD0000000, s2;
	s6 =	simm.s32 $0x108;
	_ =	swait.ge @!p0 [sflag:s8], $0x0  }
0x24: {  	s3 =	sadd.s32 $0x88, s3;
	s6 =	simm.s32 @!p1 $0x1082;
	[sflag:s4] =	ssyncset.s32 $0xFFFFF086  }
0x25: {  	[simem:s6], [sflag:s4] =	dma.local [hbm:s3], $0xF7A  }
0x26: {  	[smem:$0x3F9D] =	sst s1;
	(tag) =	ssettag s2;
	_ =	strace s9  }
0x27: {  	s1 =	sld [smem:$0x3FAD]  }
0x28: {  	s2 =	sld [smem:$0x3FAE]  }
0x29: {  	s4 =	sld [smem:$0x3FB0]  }
0x2a: {  	p0 =	seq.s32 s5, $0x0;
	s5 =	sld [smem:$0x3FB1]  }
0x2b: {  	s6 =	sld [smem:$0x3FB2]  }
0x2c: {  	s7 =	sld [smem:$0x3FB3]  }
0x2d: {  	s3 =	simm.s32 $0x108;
	s8 =	sld [smem:$0x3FB4]  }
0x2e: {  	s3 =	simm.s32 @!p0 $0x1082;
	s9 =	sld [smem:$0x3FB5]  }
0x2f: {  	lr =	sadd.s32 s0, s3;
	s0 =	sld [smem:$0x3FAC]  }
0x30: {  	s3 =	sld [smem:$0x3FAF]  }
0x31: {  	[smem:$0x3FB8] =	sst s10  }
0x32: {  	s10 =	sld [smem:$0x3FB6];
	_ =	sdelay $0x3  }
0x33: {  	p0 =	seq.s32 s10, $0x1;
	s10 =	sld [smem:$0x3FB8];
	_ =	sdelay $0x3  }
0x34: {  	[smem:$0x3FB8] =	sst s10  }
0x35: {  	s10 =	sld [smem:$0x3FB7];
	_ =	sdelay $0x3  }
0x36: {  	p1 =	seq.s32 s10, $0x1;
	s10 =	sld [smem:$0x3FB8];
	_ =	sdelay $0x3  }
0x37: {  	[smem:$0x3FB8] =	sst s10  }
0x38: {  	s10 =	sld [smem:$0x3FB9]  }
0x39: {  	_ = 	snop;
	(pc) =	sbr.ind lr, $3  }
0x3a: {  	_ = 	snop  }
0x3b: {  	_ = 	snop  }
0x3c: {  	p2 =	seq.s32 s10, $0x1;
	s10 =	sld [smem:$0x3FB8]  }
0x3d: {  	_ =	shalt  }
0x3e: {  	_ =	shalt  }
0x3f: {  	_ =	shalt  }
0x40: {  	_ =	shalt  }
0x41: {  	_ =	shalt  }
0x42: {  	_ =	shalt  }
0x43: {  	_ =	shalt  }
0x44: {  	_ =	shalt  }
0x45: {  	_ =	shalt  }
0x46: {  	_ =	shalt  }
0x47: {  	_ =	shalt  }
0x48: {  	_ =	shalt  }
0x49: {  	_ =	shalt  }
0x4a: {  	_ =	shalt  }
0x4b: {  	_ =	shalt  }
0x4c: {  	_ =	shalt  }
0x4d: {  	_ =	shalt  }
0x4e: {  	_ =	shalt  }
0x4f: {  	_ =	shalt  }
0x50: {  	_ =	shalt  }
0x51: {  	_ =	shalt  }
0x52: {  	_ =	shalt  }
0x53: {  	_ =	shalt  }
0x54: {  	_ =	shalt  }
0x55: {  	_ =	shalt  }
0x56: {  	_ =	shalt  }
0x57: {  	_ =	shalt  }
0x58: {  	_ =	shalt  }
0x59: {  	_ =	shalt  }
0x5a: {  	_ =	shalt  }
0x5b: {  	_ =	shalt  }
0x5c: {  	_ =	shalt  }
0x5d: {  	_ =	shalt  }
0x5e: {  	_ =	shalt  }
0x5f: {  	_ =	shalt  }
0x60: {  	_ =	shalt  }
0x61: {  	_ =	shalt  }
0x62: {  	_ =	shalt  }
0x63: {  	_ =	shalt  }
0x64: {  	_ =	shalt  }
0x65: {  	_ =	shalt  }
0x66: {  	_ =	shalt  }
0x67: {  	_ =	shalt  }
0x68: {  	_ =	shalt  }
0x69: {  	_ =	shalt  }
0x6a: {  	_ =	shalt  }
0x6b: {  	_ =	shalt  }
0x6c: {  	_ =	shalt  }
0x6d: {  	_ =	shalt  }
0x6e: {  	_ =	shalt  }
0x6f: {  	_ =	shalt  }
0x70: {  	_ =	shalt  }
0x71: {  	_ =	shalt  }
0x72: {  	_ =	shalt  }
0x73: {  	_ =	shalt  }
0x74: {  	_ =	shalt  }
0x75: {  	_ =	shalt  }
0x76: {  	_ =	shalt  }
0x77: {  	_ =	shalt  }
0x78: {  	_ =	shalt  }
0x79: {  	_ =	shalt  }
0x7a: {  	_ =	shalt  }
0x7b: {  	_ =	shalt  }
0x7c: {  	_ =	shalt  }
0x7d: {  	_ =	shalt  }
0x7e: {  	_ =	shalt  }
0x7f: {  	_ =	shalt  }
0x80: {  	_ =	shalt  }
0x81: {  	_ =	shalt  }
0x82: {  	_ =	shalt  }
0x83: {  	_ =	shalt  }
0x84: {  	_ =	shalt  }
0x85: {  	_ =	shalt  }
0x86: {  	_ =	shalt  }
0x87: {  	_ =	shalt  }
.Lfunc_end0:
.L_simem_size_0:
called_computation.1_lowered:
.L_overlay_start_0:
0x88: {  	s2 =	sld [smem:$0x3FD9]  }
0x89: {  	s3 =	sld [smem:$0x3FFE];
	_ =	sdelay $0x1  }
0x8a: {  	s1 =	srdreg.scid  }
0x8b: {  	s0 =	sand.u32 $0x1, s1  }
0x8c: {  	s17 =	sshll.u32 s0, $0xA;
	s2 =	sadd.s32 s3, s2  }
0x8d: {  	s2 =	sadd.s32 s2, s17  }
0x8e: {  	[smem:$0x3FC4] =	sst s2  }
0x8f: {  	_ = 	snop  }
0x90: {  	s2 =	sld [smem:$0x3FC7]  }
0x91: {  	s18 =	sld [smem:$0x3FC6];
	(tm) =	ssettm $0x1  }
0x92: {  	s4 =	sld [smem:$0x3FFB];
	_ =	sdelay $0x3  }
0x93: {  	_ =	strace s4  }
0x94: {  	s4 =	sld [smem:$0x3FFC];
	_ =	sdelay $0x3  }
0x95: {  	_ =	strace s4  }
0x96: {  	s4 =	sld [smem:$0x3FFD];
	_ =	sdelay $0x3  }
0x97: {  	_ =	strace s4  }
0x98: {  	_ =	strace $0x8FFFFFFF  }
0x99: {  	s19 =	sld [smem:$0x3FDB];
	_ =	sdelay $0x1  }
0x9a: {  	s5 =	simm.s32 $_scs_section_size  }
0x9b: {  	s6 =	simm.s32 $_size__tile_overlayer_lowered;
	s7 =	simm.s32 $_tile_overlayer_lowered  }
0x9c: {  	s22 =	simm.s32 $0x1BFF;
	s21 =	sshll.u32 s7, $0x1;
	s4 =	sadd.s32 s5, s19  }
0x9d: {  	s8 =	simm.s32 $0x0;
	s20 =	sshll.u32 s6, $0x1;
	s6 =	sadd.s32 s21, s4  }
0x9e: {  	[timem:s8], [sflag:s22] =	dma.local [hbm:s6], s20  }
0x9f: {  	_ =	swait.ge [sflag:s22], s20  }
0xa0: {  	s5 =	ssub.s32 $0x0, s20;
	[sflag:s22] =	ssyncset.done $0x0  }
0xa1: {  	[sflag:s22] =	ssyncadd.s32 s5;
	_ =	sdelay $0x1  }
0xa2: {  	s23 =	simm.s32 $0x1B8B  }
0xa3: {  	_ =	swait.ge [sflag:s23], $0x1  }
0xa4: {  	[sflag:s23] =	ssyncset.done $0x0  }
0xa5: {  	s25 =	simm.s32 $0x1B8E;
	s24 =	sld [smem:$0x3FFE];
	[sflag:s23] =	ssyncadd.s32 $0xFFFFFFFF  }
0xa6: {  	s26 =	simm.s32 $execute0_lowered;
	[smem:$0x3FD2] =	sst s25  }
0xa7: {  	s6 =	sshll.u32 s26, $0x1;
	_ =	strace $0x80000049;
	[dreg:$0x1] =	wrdreg $0xFFFFFFFF  }
0xa8: {  	s28 =	simm.s32 $_size_execute0_lowered;
	s4 =	sadd.s32 s4, s6;
	[dreg:$0x0] =	wrdreg $0x0  }
0xa9: {  	s6 =	sshll.u32 s28, $0x1;
	[dreg:$0x2] =	wrdreg s4  }
0xaa: {  	[dreg:$0x3] =	wrdreg s6  }
0xab: {  	[dreg:$0x4] =	wrdreg $0xC0  }
0xac: {  	_ =	task [dreg:s8], $0x5FFFF  }
0xad: {  	[dreg:$0x1] =	wrdreg $0xFFFFFFFF  }
0xae: {  	[dreg:$0x0] =	wrdreg $0x60  }
0xaf: {  	[dreg:$0x2] =	wrdreg s24  }
0xb0: {  	[dreg:$0x3] =	wrdreg s2  }
0xb1: {  	[dreg:$0x4] =	wrdreg s18  }
0xb2: {  	[dreg:$0x5] =	wrdreg $0x9  }
0xb3: {  	_ =	task.clear_ibuf [dreg:s8], $0x6FFFF;
	_ =	strace $0x90000049  }
0xb4: {  	s29 =	simm.s32 $0x9;
	_ =	strace $0x8000004B  }
0xb5: {  	_ =	swait.ge [sflag:s29], $0x1  }
0xb6: {  	[sflag:s29] =	ssyncadd.s32 $0xFFFFFFFF  }
0xb7: {  	_ =	strace $0x9000004B  }
0xb8: {  	_ =	sfence  }
0xb9: {  	s30 =	sld [smem:$0x0];
	_ =	sdelay $0x2  }
0xba: {  	s31 =	sshll.u32 s1, $0xD;
	s1 =	sshrl.u32 s1, $0x2  }
0xbb: {  	s3 =	sand.u32 $0x4000, s31;
	s1 =	sadd.s32 s1, s30  }
0xbc: {  	s0 =	sor.u32 s3, s0;
	s1 =	sshll.u32 s1, $0x11  }
0xbd: {  	s0 =	sor.u32 s1, s0  }
0xbe: {  	s0 =	sadd.s32 $0x8F2B, s0  }
0xbf: {  	[sflag:s0] =	ssyncadd.remote.s32 $0x1  }
0xc0: {  	_ =	sfence.sel $0xFFFF  }
0xc1: {  	[dreg:$0x0] =	wrdreg $0xFFFFFFFF;
	(pc) =	sbr.abs _section_cstart, $3  }
0xc2: {  	[dreg:$0x1] =	wrdreg $0xFFFFFFFF  }
0xc3: {  	_ =	task.clear_ibuf [dreg:s8], $0x2FFFF;
	_ =	strace $0x9FFFFFFF  }
0xc4: {  	(tm) =	ssettm $0x7FFFFFFF  }
0xc5: {  	_ =	shalt  }
tec
execute0_lowered:
.L_overlay_start_1:
0x0: {  	(tag) =	ssettag $0x1  }
0x1: {  	s6 =	rddreg [dreg:$0x0]  }
0x2: {  	s1 =	rddreg [dreg:$0x1]  }
0x3: {  	s3 =	rddreg [dreg:$0x2]  }
0x4: {  	s0 =	rddreg [dreg:$0x3];
	s5 =	srdreg.scid  }
0x5: {  	s4 =	simm.s32 $0x0;
	s2 =	stileid.u32;
	s13 =	simm.s32 $0x1  }
0x6: {  	s5 =	sand.u32 $0x1, s5;
	[smem:$0x7FF] =	sst s4;
	s7 =	sshll.u32 s2, $0xA  }
0x7: {  	s8 =	sshll.u32 s5, $0x9;
	_ =	strace $0x8000004A;
	s31 =	ssub.s32 $0x2, s5  }
0x8: {  	s5 =	sadd.s32 $0x1200, s6;
	s7 =	sor.u32 s8, s7;
	s10 =	sshrl.u32 s31, $0x1  }
0x9: {  	s9 =	sshrl.u32 s7, $0x3;
	s8 =	ssub.s32 s31, s10;
	s11 =	sshll.u32 s7, $0xC  }
0xa: {  	s10 =	simm.s32 $0x500;
	s6 =	sadd.s32 s9, s6;
	s12 =	sor.u32 $0x40000, s11  }
0xb: {  	s14 =	sor.u32 $0x80000, s11;
	s15 =	sor.u32 $0xC0000, s11;
	s16 =	sor.u32 $0x100000, s11  }
0xc: {  	s17 =	sor.u32 $0x140000, s11;
	s18 =	sor.u32 $0x180000, s11;
	s19 =	sor.u32 $0x1C0000, s11  }
0xd: {  	s7 =	smax.u32 s8, $0x1;
	s8 =	simm.s32 $0x2;
	s9 =	simm.s32 $0x80  }
0xe: {  	v0 =	vmov s11;
	s11 =	simm.s32 $0x100;
	s6 =	sadd.s32 $0xA00, s6;
	v1 =	vmov s12;
	s12 =	simm.s32 $0x300  }
0xf: {  	v2 =	vmov s14;
	v3 =	vmov s15;
	v4 =	vmov s16;
	s14 =	simm.s32 $0x180;
	s15 =	simm.s32 $0x380;
	s16 =	simm.s32 $0x200  }
0x10: {  	v5 =	vmov s17;
	v6 =	vmov s18;
	v7 =	vmov s19;
	s17 =	simm.s32 $0x400;
	s18 =	simm.s32 $0x280;
	s19 =	simm.s32 $0x480  }
.LBB2_1:
0x11: {  	[tilespmem:s4], [sflag:$0x2] =	stream.linear.gather [hbm4b:s1+s4], $0x80, $0x38;
	[tilespmem:$0x700] =	vst v63  }
0x12: {  	_ =	swait.ge [sflag:s8], $0x80  }
0x13: {  	[sflag:s8] =	ssyncset.done $0x0  }
0x14: {  	[sflag:s8] =	ssyncadd.s32 $0xFFFFFF80  }
0x15: {  	[tilespmem:s9], [sflag:$0x2] =	stream.linear.gather [hbm4b:s3+s4], $0x80, $0x38;
	[tilespmem:$0x700] =	vst v63  }
0x16: {  	_ =	swait.ge [sflag:s8], $0x80  }
0x17: {  	[sflag:s8] =	ssyncset.done $0x0  }
0x18: {  	[sflag:s8] =	ssyncadd.s32 $0xFFFFFF80  }
0x19: {  	[tilespmem:s10], [sflag:$0x2] =	stream.linear.gather [hbm4b:s6+s4], $0x200, $0x38;
	[tilespmem:$0x700] =	vst v63  }
0x1a: {  	_ =	swait.ge [sflag:s8], $0x200  }
0x1b: {  	[sflag:s8] =	ssyncset.done $0x0  }
0x1c: {  	[sflag:s8] =	ssyncadd.s32 $0xFFFFFE00  }
0x1d: {  	v8 =	vld [tilespmem:$0x0]  }
0x1e: {  	v9 =	vld [tilespmem:$0x80]  }
0x1f: {  	v10 =	vld [tilespmem:$0x10]  }
0x20: {  	v11 =	vld [tilespmem:$0x90]  }
0x21: {  	v12 =	vld [tilespmem:$0x20]  }
0x22: {  	v13 =	vld [tilespmem:$0xA0]  }
0x23: {  	v14 =	vld [tilespmem:$0x30]  }
0x24: {  	v15 =	vld [tilespmem:$0xB0]  }
0x25: {  	v16 =	vld [tilespmem:$0x0]  }
0x26: {  	v17 =	vld [tilespmem:$0x80]  }
0x27: {  	v18 =	vld [tilespmem:$0x10]  }
0x28: {  	v19 =	vld [tilespmem:$0x90]  }
0x29: {  	v20 =	vld [tilespmem:$0x20]  }
0x2a: {  	v21 =	vld [tilespmem:$0xA0]  }
0x2b: {  	v22 =	vld [tilespmem:$0x30]  }
0x2c: {  	v23 =	vld [tilespmem:$0xB0]  }
0x2d: {  	v24 =	vld [tilespmem:$0x0]  }
0x2e: {  	v25 =	vld [tilespmem:$0x80]  }
0x2f: {  	v26 =	vld [tilespmem:$0x10]  }
0x30: {  	v27 =	vld [tilespmem:$0x90]  }
0x31: {  	v28 =	vld [tilespmem:$0x20]  }
0x32: {  	v29 =	vld [tilespmem:$0xA0]  }
0x33: {  	v30 =	vld [tilespmem:$0x30]  }
0x34: {  	v31 =	vld [tilespmem:$0xB0]  }
0x35: {  	v32 =	vld [tilespmem:$0x0]  }
0x36: {  	v33 =	vld [tilespmem:$0x80]  }
0x37: {  	v34 =	vld [tilespmem:$0x10]  }
0x38: {  	v35 =	vld [tilespmem:$0x90]  }
0x39: {  	v36 =	vld [tilespmem:$0x20]  }
0x3a: {  	v37 =	vld [tilespmem:$0xA0]  }
0x3b: {  	v38 =	vld [tilespmem:$0x30]  }
0x3c: {  	v39 =	vld [tilespmem:$0xB0]  }
0x3d: {  	v40 =	vld [tilespmem:$0x0]  }
0x3e: {  	v41 =	vld [tilespmem:$0x80]  }
0x3f: {  	v42 =	vld [tilespmem:$0x10]  }
0x40: {  	v43 =	vld [tilespmem:$0x90];
	v8 =	vshll.u32 v8, $0x9;
	v10 =	vshll.u32 v10, $0x9  }
0x41: {  	v44 =	vld [tilespmem:$0x20];
	v63 =	vshll.u32 v12, $0x9;
	v46 =	vshll.u32 v14, $0x9;
	v8 =	vadd.s32 v0, v8  }
0x42: {  	v12 =	vld [tilespmem:$0xA0];
	v48 =	vshll.u32 v16, $0x9;
	v62 =	vadd.s32 v0, v10;
	v8 =	vadd.s32 v9, v8  }
0x43: {  	v50 =	vshll.u32 v18, $0x9;
	v14 =	vld [tilespmem:$0x0];
	v45 =	vadd.s32 v0, v63;
	[tilespmem:$0x100] =	vst v8;
	v8 =	vadd.s32 v11, v62  }
0x44: {  	v52 =	vshll.u32 v20, $0x9;
	v16 =	vld [tilespmem:$0x10];
	v47 =	vadd.s32 v0, v46;
	[tilespmem:$0x110] =	vst v8;
	v8 =	vadd.s32 v13, v45  }
0x45: {  	v54 =	vshll.u32 v22, $0x9;
	v18 =	vld [tilespmem:$0x20];
	v49 =	vadd.s32 v1, v48;
	[tilespmem:$0x120] =	vst v8;
	v8 =	vadd.s32 v15, v47  }
0x46: {  	v56 =	vshll.u32 v24, $0x9;
	v51 =	vadd.s32 v1, v50;
	v63 =	vld [tilespmem:$0x30];
	[tilespmem:$0x130] =	vst v8;
	v8 =	vadd.s32 v17, v49  }
0x47: {  	v58 =	vshll.u32 v26, $0x9;
	v53 =	vadd.s32 v1, v52;
	v48 =	vld [tilespmem:$0xA0];
	[tilespmem:$0x140] =	vst v8;
	v8 =	vadd.s32 v19, v51  }
0x48: {  	v60 =	vshll.u32 v28, $0x9;
	v55 =	vadd.s32 v1, v54;
	v54 =	vld [tilespmem:$0xB0];
	[tilespmem:$0x150] =	vst v8;
	v8 =	vadd.s32 v21, v53  }
0x49: {  	v57 =	vadd.s32 v2, v56;
	v61 =	vadd.s32 v2, v60;
	v60 =	vld [tilespmem:$0x80];
	[tilespmem:$0x160] =	vst v8;
	v8 =	vadd.s32 v23, v55  }
0x4a: {  	v59 =	vadd.s32 v2, v58;
	v11 =	vld [tilespmem:$0x30];
	v62 =	vshll.u32 v30, $0x9;
	[tilespmem:$0x170] =	vst v8;
	v8 =	vadd.s32 v25, v57  }
0x4b: {  	v30 =	vld [tilespmem:$0x0];
	v26 =	vadd.s32 v2, v62;
	[tilespmem:$0x180] =	vst v8;
	v8 =	vadd.s32 v27, v59  }
0x4c: {  	v13 =	vld [tilespmem:$0xB0];
	v62 =	vshll.u32 v63, $0x9;
	v27 =	vshll.u32 v32, $0x9;
	[tilespmem:$0x190] =	vst v8;
	v8 =	vadd.s32 v29, v61  }
0x4d: {  	v45 =	vld [tilespmem:$0x20];
	v28 =	vadd.s32 v3, v27;
	v29 =	vshll.u32 v34, $0x9;
	[tilespmem:$0x1A0] =	vst v8;
	v8 =	vadd.s32 v31, v26  }
0x4e: {  	v15 =	vld [tilespmem:$0x80];
	v32 =	vshll.u32 v36, $0x9;
	v31 =	vadd.s32 v3, v29;
	[tilespmem:$0x1B0] =	vst v8;
	v8 =	vadd.s32 v33, v28  }
0x4f: {  	v17 =	vld [tilespmem:$0x90];
	v34 =	vshll.u32 v38, $0x9;
	v33 =	vadd.s32 v3, v32;
	[tilespmem:$0x1C0] =	vst v8;
	v8 =	vadd.s32 v35, v31  }
0x50: {  	v63 =	vld [tilespmem:$0x10];
	v36 =	vadd.s32 v3, v34;
	[tilespmem:$0x1D0] =	vst v8;
	v8 =	vadd.s32 v37, v33;
	v37 =	vshll.u32 v40, $0x9  }
0x51: {  	v42 =	vshll.u32 v42, $0x9;
	v19 =	vld [tilespmem:$0xA0];
	[tilespmem:$0x1E0] =	vst v8;
	v8 =	vadd.s32 v39, v36;
	v40 =	vadd.s32 v4, v37  }
0x52: {  	v46 =	vadd.s32 v4, v42;
	v47 =	vshll.u32 v44, $0x9;
	v51 =	vld [tilespmem:$0x30];
	[tilespmem:$0x1F0] =	vst v8;
	v8 =	vadd.s32 v41, v40  }
0x53: {  	v49 =	vadd.s32 v4, v47;
	v21 =	vld [tilespmem:$0xB0];
	v50 =	vshll.u32 v11, $0x9;
	[tilespmem:$0x200] =	vst v8;
	v8 =	vadd.s32 v43, v46  }
0x54: {  	v53 =	vshll.u32 v14, $0x9;
	v52 =	vadd.s32 v4, v50;
	v35 =	vld [tilespmem:$0x10];
	[tilespmem:$0x210] =	vst v8;
	v8 =	vadd.s32 v12, v49  }
0x55: {  	v56 =	vshll.u32 v16, $0x9;
	v23 =	vld [tilespmem:$0x80];
	v55 =	vadd.s32 v5, v53;
	[tilespmem:$0x220] =	vst v8;
	v8 =	vadd.s32 v13, v52  }
0x56: {  	v58 =	vadd.s32 v5, v56;
	v59 =	vshll.u32 v18, $0x9;
	v38 =	vld [tilespmem:$0x90];
	[tilespmem:$0x230] =	vst v8;
	v8 =	vadd.s32 v15, v55  }
0x57: {  	v57 =	vld [tilespmem:$0x0];
	v61 =	vadd.s32 v5, v59;
	[tilespmem:$0x240] =	vst v8;
	v8 =	vadd.s32 v17, v58  }
0x58: {  	v20 =	vadd.s32 v5, v62;
	v29 =	vld [tilespmem:$0x90];
	v28 =	vshll.u32 v30, $0x9;
	[tilespmem:$0x250] =	vst v8;
	v8 =	vadd.s32 v19, v61  }
0x59: {  	v32 =	vld [tilespmem:$0x20];
	v30 =	vadd.s32 v6, v28;
	v31 =	vshll.u32 v35, $0x9;
	[tilespmem:$0x260] =	vst v8;
	v8 =	vadd.s32 v21, v20  }
0x5a: {  	v34 =	vshll.u32 v45, $0x9;
	v35 =	vld [tilespmem:$0x30];
	v33 =	vadd.s32 v6, v31;
	[tilespmem:$0x270] =	vst v8;
	v8 =	vadd.s32 v23, v30  }
0x5b: {  	v36 =	vadd.s32 v6, v34;
	v37 =	vshll.u32 v51, $0x9;
	[tilespmem:$0x280] =	vst v8;
	v8 =	vadd.s32 v38, v33;
	v38 =	vld [tilespmem:$0xA0]  }
0x5c: {  	v39 =	vadd.s32 v6, v37;
	v40 =	vshll.u32 v57, $0x9;
	v41 =	vld [tilespmem:$0xB0];
	[tilespmem:$0x290] =	vst v8;
	v8 =	vadd.s32 v48, v36  }
0x5d: {  	v42 =	vadd.s32 v7, v40;
	v43 =	vshll.u32 v63, $0x9;
	[tilespmem:$0x2A0] =	vst v8;
	v8 =	vadd.s32 v54, v39  }
0x5e: {  	v45 =	vshll.u32 v32, $0x9;
	v44 =	vadd.s32 v7, v43;
	[tilespmem:$0x2B0] =	vst v8;
	v8 =	vadd.s32 v60, v42  }
0x5f: {  	v46 =	vadd.s32 v7, v45;
	v47 =	vshll.u32 v35, $0x9;
	[tilespmem:$0x2C0] =	vst v8;
	v8 =	vadd.s32 v29, v44  }
0x60: {  	v48 =	vadd.s32 v7, v47;
	[tilespmem:$0x2D0] =	vst v8;
	v8 =	vadd.s32 v38, v46  }
0x61: {  	[tilespmem:$0x2E0] =	vst v8;
	v8 =	vadd.s32 v41, v48  }
0x62: {  	[tilespmem:$0x2F0] =	vst v8  }
0x63: {  	[tilespmem:s12], [sflag:$0x1] =	stream.indirect.gather [hbm4b:s5+s9], $0x1, s11, s9, $0xb8;
	[tilespmem:$0x700] =	vst v63  }
0x64: {  	_ =	swait.ge [sflag:s13], $0x80  }
0x65: {  	[sflag:s13] =	ssyncset.done $0x0  }
0x66: {  	[sflag:s13] =	ssyncadd.s32 $0xFFFFFF80  }
0x67: {  	[tilespmem:s15], [sflag:$0x1] =	stream.indirect.gather [hbm4b:s5+s9], $0x1, s14, s9, $0xb8;
	[tilespmem:$0x700] =	vst v63  }
0x68: {  	_ =	swait.ge [sflag:s13], $0x80  }
0x69: {  	[sflag:s13] =	ssyncset.done $0x0  }
0x6a: {  	[sflag:s13] =	ssyncadd.s32 $0xFFFFFF80  }
0x6b: {  	[tilespmem:s17], [sflag:$0x1] =	stream.indirect.gather [hbm4b:s5+s9], $0x1, s16, s9, $0xb8;
	[tilespmem:$0x700] =	vst v63  }
0x6c: {  	_ =	swait.ge [sflag:s13], $0x80  }
0x6d: {  	[sflag:s13] =	ssyncset.done $0x0  }
0x6e: {  	[sflag:s13] =	ssyncadd.s32 $0xFFFFFF80  }
0x6f: {  	[tilespmem:s19], [sflag:$0x1] =	stream.indirect.gather [hbm4b:s5+s9], $0x1, s18, s9, $0xb8;
	[tilespmem:$0x700] =	vst v63  }
0x70: {  	_ =	swait.ge [sflag:s13], $0x80  }
0x71: {  	[sflag:s13] =	ssyncset.done $0x0  }
0x72: {  	[sflag:s13] =	ssyncadd.s32 $0xFFFFFF80  }
0x73: {  	v8 =	vld [tilespmem:$0x300]  }
0x74: {  	v49 =	vld [tilespmem:$0x500]  }
0x75: {  	v10 =	vld [tilespmem:$0x310]  }
0x76: {  	v50 =	vld [tilespmem:$0x510]  }
0x77: {  	v12 =	vld [tilespmem:$0x320]  }
0x78: {  	v51 =	vld [tilespmem:$0x520]  }
0x79: {  	v52 =	vld [tilespmem:$0x330]  }
0x7a: {  	v53 =	vld [tilespmem:$0x530]  }
0x7b: {  	v16 =	vld [tilespmem:$0x340]  }
0x7c: {  	v54 =	vld [tilespmem:$0x540]  }
0x7d: {  	v55 =	vld [tilespmem:$0x350]  }
0x7e: {  	v56 =	vld [tilespmem:$0x550]  }
0x7f: {  	v20 =	vld [tilespmem:$0x360]  }
0x80: {  	v57 =	vld [tilespmem:$0x560]  }
0x81: {  	v58 =	vld [tilespmem:$0x370]  }
0x82: {  	v59 =	vld [tilespmem:$0x570]  }
0x83: {  	v24 =	vld [tilespmem:$0x380]  }
0x84: {  	v60 =	vld [tilespmem:$0x580]  }
0x85: {  	v61 =	vld [tilespmem:$0x390]  }
0x86: {  	v62 =	vld [tilespmem:$0x590]  }
0x87: {  	v28 =	vld [tilespmem:$0x3A0]  }
0x88: {  	v63 =	vld [tilespmem:$0x5A0]  }
0x89: {  	v30 =	vld [tilespmem:$0x3B0]  }
0x8a: {  	v31 =	vld [tilespmem:$0x5B0]  }
0x8b: {  	v32 =	vld [tilespmem:$0x3C0]  }
0x8c: {  	v33 =	vld [tilespmem:$0x5C0]  }
0x8d: {  	v34 =	vld [tilespmem:$0x3D0]  }
0x8e: {  	v35 =	vld [tilespmem:$0x5D0]  }
0x8f: {  	v36 =	vld [tilespmem:$0x3E0]  }
0x90: {  	v37 =	vld [tilespmem:$0x5E0]  }
0x91: {  	v38 =	vld [tilespmem:$0x3F0]  }
0x92: {  	v39 =	vld [tilespmem:$0x5F0]  }
0x93: {  	v40 =	vld [tilespmem:$0x400]  }
0x94: {  	v41 =	vld [tilespmem:$0x600]  }
0x95: {  	v42 =	vld [tilespmem:$0x410]  }
0x96: {  	v48 =	vld [tilespmem:$0x610]  }
0x97: {  	v44 =	vld [tilespmem:$0x420]  }
0x98: {  	v45 =	vld [tilespmem:$0x4A0];
	v8 =	vadd.f32 v49, v8  }
0x99: {  	v46 =	vld [tilespmem:$0x6A0];
	v10 =	vadd.f32 v50, v10  }
0x9a: {  	v49 =	vld [tilespmem:$0x620];
	[tilespmem:$0x300] =	vst v8;
	v8 =	vadd.f32 v51, v12  }
0x9b: {  	v50 =	vld [tilespmem:$0x430];
	v52 =	vadd.f32 v53, v52;
	[tilespmem:$0x310] =	vst v10  }
0x9c: {  	v53 =	vld [tilespmem:$0x440];
	[tilespmem:$0x320] =	vst v8;
	v8 =	vadd.f32 v54, v16  }
0x9d: {  	v55 =	vadd.f32 v56, v55;
	v56 =	vld [tilespmem:$0x450];
	[tilespmem:$0x330] =	vst v52  }
0x9e: {  	v58 =	vadd.f32 v59, v58;
	v59 =	vld [tilespmem:$0x460];
	[tilespmem:$0x340] =	vst v8;
	v8 =	vadd.f32 v57, v20  }
0x9f: {  	v61 =	vadd.f32 v62, v61;
	v62 =	vld [tilespmem:$0x470];
	[tilespmem:$0x350] =	vst v55  }
0xa0: {  	v30 =	vadd.f32 v31, v30;
	v31 =	vld [tilespmem:$0x480];
	[tilespmem:$0x360] =	vst v8;
	v8 =	vadd.f32 v60, v24  }
0xa1: {  	v34 =	vadd.f32 v35, v34;
	v35 =	vld [tilespmem:$0x490];
	[tilespmem:$0x370] =	vst v58  }
0xa2: {  	v47 =	vadd.f32 v48, v42;
	v48 =	vld [tilespmem:$0x4B0];
	[tilespmem:$0x380] =	vst v8;
	v8 =	vadd.f32 v63, v28  }
0xa3: {  	v51 =	vld [tilespmem:$0x630];
	[tilespmem:$0x390] =	vst v61  }
0xa4: {  	v52 =	vld [tilespmem:$0x6C0];
	[tilespmem:$0x3A0] =	vst v8;
	v8 =	vadd.f32 v33, v32  }
0xa5: {  	[tilespmem:$0x3B0] =	vst v30;
	v55 =	vld [tilespmem:$0x6D0]  }
0xa6: {  	v58 =	vld [tilespmem:$0x6E0];
	[tilespmem:$0x3C0] =	vst v8;
	v8 =	vadd.f32 v37, v36  }
0xa7: {  	v39 =	vadd.f32 v39, v38;
	[tilespmem:$0x3D0] =	vst v34;
	v54 =	vld [tilespmem:$0x640]  }
0xa8: {  	v57 =	vld [tilespmem:$0x650];
	[tilespmem:$0x3E0] =	vst v8;
	v8 =	vadd.f32 v41, v40  }
0xa9: {  	[tilespmem:$0x3F0] =	vst v39;
	v63 =	vld [tilespmem:$0x670]  }
0xaa: {  	v60 =	vld [tilespmem:$0x660];
	[tilespmem:$0x400] =	vst v8;
	v8 =	vadd.f32 v49, v44  }
0xab: {  	[tilespmem:$0x410] =	vst v47;
	v50 =	vadd.f32 v51, v50;
	v37 =	vld [tilespmem:$0x690]  }
0xac: {  	v33 =	vld [tilespmem:$0x680];
	[tilespmem:$0x420] =	vst v8;
	v8 =	vadd.f32 v54, v53  }
0xad: {  	[tilespmem:$0x430] =	vst v50;
	v49 =	vld [tilespmem:$0x6B0];
	v53 =	vadd.f32 v57, v56  }
0xae: {  	v61 =	vld [tilespmem:$0x6F0];
	v56 =	vadd.f32 v63, v62;
	[tilespmem:$0x440] =	vst v8  }
0xaf: {  	v54 =	vld [tilespmem:$0x4D0];
	v8 =	vadd.f32 v60, v59;
	[tilespmem:$0x450] =	vst v53  }
0xb0: {  	v51 =	vld [tilespmem:$0x4C0];
	[tilespmem:$0x470] =	vst v56;
	v59 =	vadd.f32 v37, v35  }
0xb1: {  	v60 =	vld [tilespmem:$0x4F0];
	[tilespmem:$0x460] =	vst v8;
	v8 =	vadd.f32 v33, v31  }
0xb2: {  	v57 =	vld [tilespmem:$0x4E0];
	v9 =	vadd.f32 v49, v48;
	[tilespmem:$0x490] =	vst v59  }
0xb3: {  	[tilespmem:$0x480] =	vst v8;
	v8 =	vadd.f32 v46, v45  }
0xb4: {  	[tilespmem:$0x4B0] =	vst v9;
	v62 =	vadd.f32 v55, v54  }
0xb5: {  	[tilespmem:$0x4A0] =	vst v8;
	v8 =	vadd.f32 v52, v51  }
0xb6: {  	[tilespmem:$0x4D0] =	vst v62;
	v63 =	vadd.f32 v61, v60  }
0xb7: {  	[tilespmem:$0x4C0] =	vst v8;
	v8 =	vadd.f32 v58, v57  }
0xb8: {  	[tilespmem:$0x4F0] =	vst v63  }
0xb9: {  	[tilespmem:$0x4E0] =	vst v8  }
0xba: {  	[hbm4b:s5+s9] =	stream.indirect.scatter [tilespmem:s12], [sflag:$0x2], $0x1, s11, s9, $0xb8;
	[tilespmem:$0x700] =	vst v63  }
0xbb: {  	_ =	swait.ge [sflag:s8], $0x80  }
0xbc: {  	[sflag:s8] =	ssyncset.done $0x0  }
0xbd: {  	[sflag:s8] =	ssyncadd.s32 $0xFFFFFF80  }
0xbe: {  	[hbm4b:s5+s9] =	stream.indirect.scatter [tilespmem:s15], [sflag:$0x2], $0x1, s14, s9, $0xb8;
	[tilespmem:$0x700] =	vst v63  }
0xbf: {  	_ =	swait.ge [sflag:s8], $0x80  }
0xc0: {  	[sflag:s8] =	ssyncset.done $0x0  }
0xc1: {  	[sflag:s8] =	ssyncadd.s32 $0xFFFFFF80  }
0xc2: {  	[hbm4b:s5+s9] =	stream.indirect.scatter [tilespmem:s17], [sflag:$0x2], $0x1, s16, s9, $0xb8;
	[tilespmem:$0x700] =	vst v63  }
0xc3: {  	_ =	swait.ge [sflag:s8], $0x80  }
0xc4: {  	p0 =	sne.s32 s7, $0x1;
	[sflag:s8] =	ssyncset.done $0x0  }
.Ltmp0:
0xc5: {  	[sflag:s8] =	ssyncadd.s32 $0xFFFFFF80;
	(pc) =	sbr.rel @p0 .LBB2_1-.Ltmp0, $4  }
0xc6: {  	[hbm4b:s5+s9] =	stream.indirect.scatter [tilespmem:s19], [sflag:$0x2], $0x1, s18, s9, $0xb8;
	[tilespmem:$0x700] =	vst v63  }
0xc7: {  	_ =	swait.ge [sflag:s8], $0x80  }
0xc8: {  	[sflag:s8] =	ssyncset.done $0x0  }
0xc9: {  	s7 =	sadd.s32 $0xFFFFFFFF, s7;
	[sflag:s8] =	ssyncadd.s32 $0xFFFFFF80  }
0xca: {  	_ =	sfence.sel $0x180000  }
0xcb: {  	[bflag:$0x0] =	sbarrier.arrive $0xFFFF  }
0xcc: {  	p0 =	sne.s32 s2, $0x0;
	_ =	strace $0x9000004A  }
0xcd: {  	s0 =	sadd.s32 @!p0 $0x100000, s0;
	[bflag:$0x2] =	sbarrier.arrive $0xFFFF  }
0xce: {  	[sflag:s0] =	ssyncadd.tile.s32 @!p0 $0x1;
	_ =	shalt  }
.Lfunc_end2:
_tile_overlayer_lowered:
.L_overlay_start_2:
0xcf: {  	(tag) =	ssettag $0x2  }
0xd0: {  	s0 =	rddreg [dreg:$0x0];
	s2 =	stileid.u32  }
0xd1: {  	s1 =	rddreg [dreg:$0x1];
	p0 =	sne.s32 s2, $0x0  }
0xd2: {  	s3 =	rddreg [dreg:$0x2];
	[bflag:$0x3] =	sbarrier.arrive $0xFFFF;
	s2 =	simm.s32 @!p0 $0x1C02  }
0xd3: {  	[timem:s3], [sflag:s2] =	dma.local @!p0 [hbm:s0], s1  }
0xd4: {  	s0 =	simm.s32 @!p0 $0x2  }
0xd5: {  	_ =	swait.ge @!p0 [sflag:s0], s1  }
0xd6: {  	s1 =	ssub.s32 @!p0 $0x0, s1;
	[sflag:s0] =	ssyncset.done @!p0 $0x0  }
0xd7: {  	[sflag:s0] =	ssyncadd.s32 @!p0 s1  }
0xd8: {  	[bflag:$0x3] =	sbarrier.arrive $0xFFFF  }
0xd9: {  	_ =	shalt  }

// kernel: sparse-core-data-format-call.cloned.1.call-start
scs
called_computation_lowered:
.L_overlay_start_0:
0x0: {  	s2 =	sld [smem:$0x3FD9]  }
0x1: {  	s3 =	sld [smem:$0x3FFE];
	_ =	sdelay $0x1  }
0x2: {  	s1 =	srdreg.scid  }
0x3: {  	s0 =	sand.u32 $0x1, s1  }
0x4: {  	s19 =	sshll.u32 s0, $0xA;
	s2 =	sadd.s32 s3, s2  }
0x5: {  	s2 =	sadd.s32 s2, s19  }
0x6: {  	[smem:$0x3FC4] =	sst s2  }
0x7: {  	_ = 	snop  }
0x8: {  	s2 =	sld [smem:$0x3FC9]  }
0x9: {  	s20 =	sld [smem:$0x3FD0];
	(tm) =	ssettm $0x1  }
0xa: {  	s4 =	sld [smem:$0x3FFB];
	_ =	sdelay $0x3  }
0xb: {  	_ =	strace s4  }
0xc: {  	s4 =	sld [smem:$0x3FFC];
	_ =	sdelay $0x3  }
0xd: {  	_ =	strace s4  }
0xe: {  	s4 =	sld [smem:$0x3FFD];
	_ =	sdelay $0x3  }
0xf: {  	_ =	strace s4  }
0x10: {  	_ =	strace $0x8FFFFFFF  }
0x11: {  	s21 =	sld [smem:$0x3FDB];
	_ =	sdelay $0x1  }
0x12: {  	s5 =	simm.s32 $_scs_section_size  }
0x13: {  	s6 =	simm.s32 $_size__tile_overlayer_lowered;
	s7 =	simm.s32 $_tile_overlayer_lowered  }
0x14: {  	s24 =	simm.s32 $0x1BFF;
	s23 =	sshll.u32 s7, $0x1;
	s4 =	sadd.s32 s5, s21  }
0x15: {  	s8 =	simm.s32 $0x0;
	s22 =	sshll.u32 s6, $0x1;
	s6 =	sadd.s32 s23, s4  }
0x16: {  	[timem:s8], [sflag:s24] =	dma.local [hbm:s6], s22  }
0x17: {  	_ =	swait.ge [sflag:s24], s22  }
0x18: {  	s5 =	ssub.s32 $0x0, s22;
	[sflag:s24] =	ssyncset.done $0x0  }
0x19: {  	[sflag:s24] =	ssyncadd.s32 s5;
	_ =	sdelay $0x1  }
0x1a: {  	s25 =	simm.s32 $0x1B8B  }
0x1b: {  	_ =	swait.ge [sflag:s25], $0x1  }
0x1c: {  	[sflag:s25] =	ssyncset.done $0x0  }
0x1d: {  	s26 =	simm.s32 $0x1B8E;
	[sflag:s25] =	ssyncadd.s32 $0xFFFFFFFF  }
0x1e: {  	s27 =	simm.s32 $execute0_lowered;
	[smem:$0x3FD2] =	sst s26  }
0x1f: {  	s5 =	sshll.u32 s27, $0x1;
	_ =	strace $0x80000046;
	[dreg:$0x1] =	wrdreg $0xFFFFFFFF  }
0x20: {  	s28 =	simm.s32 $_size_execute0_lowered;
	s4 =	sadd.s32 s4, s5;
	[dreg:$0x0] =	wrdreg $0x0  }
0x21: {  	s5 =	sshll.u32 s28, $0x1;
	[dreg:$0x2] =	wrdreg s4  }
0x22: {  	[dreg:$0x3] =	wrdreg s5  }
0x23: {  	[dreg:$0x4] =	wrdreg $0xC0  }
0x24: {  	_ =	task [dreg:s8], $0x5FFFF  }
0x25: {  	[dreg:$0x1] =	wrdreg $0xFFFFFFFF  }
0x26: {  	[dreg:$0x0] =	wrdreg $0x60  }
0x27: {  	[dreg:$0x2] =	wrdreg s2  }
0x28: {  	[dreg:$0x3] =	wrdreg s20  }
0x29: {  	[dreg:$0x4] =	wrdreg $0x9  }
0x2a: {  	_ =	task.clear_ibuf [dreg:s8], $0x5FFFF;
	_ =	strace $0x90000046  }
0x2b: {  	s29 =	simm.s32 $0x9;
	_ =	strace $0x80000048  }
0x2c: {  	_ =	swait.ge [sflag:s29], $0x1  }
0x2d: {  	[sflag:s29] =	ssyncadd.s32 $0xFFFFFFFF  }
0x2e: {  	_ =	strace $0x90000048  }
0x2f: {  	_ =	sfence  }
0x30: {  	s30 =	sld [smem:$0x0];
	_ =	sdelay $0x2  }
0x31: {  	s31 =	sshll.u32 s1, $0xD;
	s1 =	sshrl.u32 s1, $0x2  }
0x32: {  	s3 =	sand.u32 $0x4000, s31;
	s1 =	sadd.s32 s1, s30  }
0x33: {  	s0 =	sor.u32 s3, s0;
	s1 =	sshll.u32 s1, $0x11  }
0x34: {  	s0 =	sor.u32 s1, s0  }
0x35: {  	s0 =	sadd.s32 $0x8F2B, s0  }
0x36: {  	[sflag:s0] =	ssyncadd.remote.s32 $0x1  }
0x37: {  	_ =	sfence.sel $0xFFFF  }
0x38: {  	[dreg:$0x0] =	wrdreg $0xFFFFFFFF;
	(pc) =	sbr.abs _section_cstart, $3  }
0x39: {  	[dreg:$0x1] =	wrdreg $0xFFFFFFFF  }
0x3a: {  	_ =	task.clear_ibuf [dreg:s8], $0x2FFFF;
	_ =	strace $0x9FFFFFFF  }
0x3b: {  	(tm) =	ssettm $0x7FFFFFFF  }
tec
execute0_lowered:
.L_overlay_start_1:
0x0: {  	(tag) =	ssettag $0x1  }
0x1: {  	s0 =	srdreg.scid  }
0x2: {  	s1 =	sshll.u32 s0, $0x4  }
0x3: {  	s2 =	rddreg [dreg:$0x0];
	s0 =	stileid.u32;
	s1 =	sand.u32 $0x10, s1  }
0x4: {  	s4 =	rddreg [dreg:$0x1];
	s1 =	sor.u32 s0, s1  }
0x5: {  	s7 =	simm.s32 $0x1;
	s8 =	simm.s32 $0x2;
	s3 =	sshll.u32 s1, $0x2  }
0x6: {  	s9 =	simm.s32 $0x0;
	s12 =	simm.s32 $0x0;
	s6 =	ssub.s32 $0x4000, s3  }
.Ltmp0:
0x7: {  	s11 =	simm.s32 $0x0;
	s5 =	sand.u32 $0x7C, s6;
	(pc) =	sbr.rel .LBB1_1-.Ltmp0, $4  }
0x8: {  	s1 =	rddreg [dreg:$0x2];
	_ =	strace $0x80000047;
	p0 =	sne.s32 s5, $0x0  }
0x9: {  	s6 =	sshrl.u32 s6, $0x7;
	s5 =	simm.s32 $0x1;
	s7 =	simm.s32 @!p0 $0x0  }
0xa: {  	s10 =	smov.u32 s3;
	[sflag:s5] =	ssyncpa.u1 $0x0;
	s6 =	sadd.s32 s7, s6  }
0xb: {  	[sflag:s8] =	ssyncpa.u1 $0x0;
	s8 =	simm.s32 $0x0;
	s7 =	sadd.s32 $0x1, s6  }
.LBB1_9:
0xc: {  	s14 =	sadd.s32 $0x80, s10  }
0xd: {  	p1 =	sgt.s32 s14, $0x3FFF  }
0xe: {  	s14 =	smov.u32 @p1 s3;
	p1 =	sne.s32 s11, s7  }
.Ltmp1:
0xf: {  	p0 =	slt.u32 s11, $0x2;
	(pc) =	sbr.rel @!p1 .LBB1_10-.Ltmp1, $4  }
0x10: {  	s13 =	simm.s32 @!p0 $0x2  }
0x11: {  	s15 =	sadd.s32 $0x1, s11;
	_ =	swait.ge @!p0 [sflag:s13], $0x4000  }
0x12: {  	s12 =	smov.u32 s10;
	s9 =	sadd.s32 $0x4000, s9;
	[sflag:s13] =	ssyncset.done @!p0 $0x0  }
0x13: {  	s11 =	smov.u32 s15;
	s10 =	smov.u32 s14;
	[sflag:s13] =	ssyncadd.s32 @!p0 $0xFFFFC000  }
.LBB1_1:
0x14: {  	p0 =	sge.u32 s11, s6  }
0x15: {  	s13 =	sxor.u32 @!p0 $0xFFFFFFFF, s11  }
0x16: {  	s31 =	sadd.s32 $0xFFFFFFFF, s11;
	s14 =	sshll.u32 @!p0 s10, $0x9;
	s13 =	sshll.u32 @!p0 s13, $0xE  }
0x17: {  	s15 =	simm.s32 @!p0 $0x0;
	s14 =	sadd.s32 @!p0 s2, s14;
	s13 =	sand.u32 @!p0 $0x4000, s13  }
0x18: {  	[tilespmem:s13], [sflag:$0x1] =	stream.linear.gather @!p0 [hbm4b:s14+s15], $0x4000, $0x38;
	[tilespmem:$0x10000] =	vst v63  }
0x19: {  	p0 =	sge.u32 s31, s6  }
.Ltmp2:
0x1a: {  	_ = 	snop;
	(pc) =	sbr.rel @p0 .LBB1_9-.Ltmp2, $1  }
0x1b: {  	_ =	sdelay $0x3  }
0x1c: {  	s14 =	sand.u32 $0x4000, s9  }
0x1d: {  	_ =	swait.ge [sflag:s5], $0x4000;
	s15 =	sshll.u32 s11, $0xE;
	s16 =	simm.s32 $0x0  }
0x1e: {  	s13 =	sor.u32 $0x40, s14;
	[sflag:s5] =	ssyncset.done $0x0;
	s15 =	sand.u32 $0x4000, s15  }
0x1f: {  	s14 =	sor.u32 $0x8040, s14;
	[sflag:s5] =	ssyncadd.s32 $0xFFFFC000;
	s15 =	sor.u32 $0x8000, s15  }
.LBB1_3:
0x20: {  	s17 =	smov.u32 s14;
	s18 =	smov.u32 s13;
	s19 =	simm.s32 $0x0  }
.LBB1_4:
0x21: {  	v0 =	vmov s17;
	v2 =	vld [tilespmem:s18+$0x30]  }
0x22: {  	v4 =	vld [tilespmem:s18+$0xFFFFFFD0]  }
0x23: {  	v6 =	vld [tilespmem:s18+$0xFFFFFFE0]  }
0x24: {  	v7 =	vld [tilespmem:s18+$0xFFFFFFF0]  }
0x25: {  	s20 =	simm.s32 $0x0;
	v1 =	vld [tilespmem:s18+$0x0]  }
0x26: {  	v3 =	vld [tilespmem:s18+$0x10];
	[tilespmem:v0+s20+$0x30 ss:$0x1] =	vst.idx.msk $0xffff, v2  }
0x27: {  	v5 =	vld [tilespmem:s18+$0x20];
	[tilespmem:v0+s20+$0xFFFFFFD0 ss:$0x1] =	vst.idx.msk $0xffff, v4  }
0x28: {  	s21 =	sadd.s32 $0x80, s18;
	v2 =	vld [tilespmem:s18+$0xFFFFFFC0];
	[tilespmem:v0+s20+$0xFFFFFFE0 ss:$0x1] =	vst.idx.msk $0xffff, v6  }
0x29: {  	s22 =	simm.s32 $0x800;
	s23 =	simm.s32 $0x1000;
	v4 =	vld [tilespmem:s21+$0x30];
	[tilespmem:v0+s20+$0xFFFFFFF0 ss:$0x1] =	vst.idx.msk $0xffff, v7  }
.LBB1_5:
0x2a: {  	p0 =	sne.s32 s23, $0x3800;
	v6 =	vld [tilespmem:s21+$0xFFFFFFD0];
	[tilespmem:v0+s20+$0x0 ss:$0x1] =	vst.idx.msk $0xffff, v1  }
0x2b: {  	v7 =	vld [tilespmem:s21+$0xFFFFFFE0];
	[tilespmem:v0+s20+$0x10 ss:$0x1] =	vst.idx.msk $0xffff, v3  }
0x2c: {  	v8 =	vld [tilespmem:s21+$0xFFFFFFF0];
	[tilespmem:v0+s20+$0x20 ss:$0x1] =	vst.idx.msk $0xffff, v5  }
.Ltmp3:
0x2d: {  	v1 =	vld [tilespmem:s21+$0x0];
	[tilespmem:v0+s20+$0xFFFFFFC0 ss:$0x1] =	vst.idx.msk $0xffff, v2;
	s20 =	sshra.s32 s22, $0x2;
	s22 =	smov.u32 s23;
	(pc) =	sbr.rel @p0 .LBB1_5-.Ltmp3, $4  }
0x2e: {  	v3 =	vld [tilespmem:s21+$0x10];
	[tilespmem:v0+s20+$0x30 ss:$0x1] =	vst.idx.msk $0xffff, v4  }
0x2f: {  	[tilespmem:v0+s20+$0xFFFFFFD0 ss:$0x1] =	vst.idx.msk $0xffff, v6;
	v5 =	vld [tilespmem:s21+$0x20]  }
0x30: {  	v2 =	vld [tilespmem:s21+$0xFFFFFFC0];
	[tilespmem:v0+s20+$0xFFFFFFE0 ss:$0x1] =	vst.idx.msk $0xffff, v7;
	s21 =	sadd.s32 $0x80, s21  }
0x31: {  	s23 =	sadd.s32 $0x800, s23;
	v4 =	vld [tilespmem:s21+$0x30];
	[tilespmem:v0+s20+$0xFFFFFFF0 ss:$0x1] =	vst.idx.msk $0xffff, v8  }
0x32: {  	_ =	sdelay $0x3  }
0x33: {  	v6 =	vld [tilespmem:s21+$0xFFFFFFD0];
	[tilespmem:v0+s20+$0x0 ss:$0x1] =	vst.idx.msk $0xffff, v1  }
0x34: {  	v58 =	vld [tilespmem:s21+$0xFFFFFFE0];
	[tilespmem:v0+s20+$0x10 ss:$0x1] =	vst.idx.msk $0xffff, v3  }
0x35: {  	v59 =	vld [tilespmem:s21+$0xFFFFFFF0];
	[tilespmem:v0+s20+$0x20 ss:$0x1] =	vst.idx.msk $0xffff, v5  }
0x36: {  	s22 =	sshra.s32 s22, $0x2;
	v60 =	vld [tilespmem:s21+$0x0];
	[tilespmem:v0+s20+$0xFFFFFFC0 ss:$0x1] =	vst.idx.msk $0xffff, v2  }
0x37: {  	v61 =	vld [tilespmem:s21+$0x10];
	[tilespmem:v0+s22+$0x30 ss:$0x1] =	vst.idx.msk $0xffff, v4  }
0x38: {  	v62 =	vld [tilespmem:s21+$0x20];
	s19 =	sadd.s32 $0x1, s19;
	[tilespmem:v0+s22+$0xFFFFFFD0 ss:$0x1] =	vst.idx.msk $0xffff, v6  }
0x39: {  	v63 =	vld [tilespmem:s21+$0xFFFFFFC0];
	p0 =	sne.s32 s19, $0x4;
	[tilespmem:v0+s22+$0xFFFFFFE0 ss:$0x1] =	vst.idx.msk $0xffff, v58  }
.Ltmp4:
0x3a: {  	[tilespmem:v0+s22+$0xFFFFFFF0 ss:$0x1] =	vst.idx.msk $0xffff, v59;
	(pc) =	sbr.rel @p0 .LBB1_4-.Ltmp4, $4  }
0x3b: {  	[tilespmem:v0+s22+$0x0 ss:$0x1] =	vst.idx.msk $0xffff, v60  }
0x3c: {  	[tilespmem:v0+s22+$0x10 ss:$0x1] =	vst.idx.msk $0xffff, v61  }
0x3d: {  	[tilespmem:v0+s22+$0x20 ss:$0x1] =	vst.idx.msk $0xffff, v62  }
0x3e: {  	s18 =	sadd.s32 $0x400, s18;
	s17 =	sadd.s32 $0x80, s17;
	[tilespmem:v0+s22+$0xFFFFFFC0 ss:$0x1] =	vst.idx.msk $0xffff, v63  }
0x3f: {  	s16 =	sadd.s32 $0x1, s16  }
0x40: {  	p0 =	sne.s32 s16, $0x4  }
.Ltmp5:
0x41: {  	_ = 	snop;
	(pc) =	sbr.rel @p0 .LBB1_3-.Ltmp5, $2  }
0x42: {  	_ =	sdelay $0x2  }
0x43: {  	s13 =	sadd.s32 $0x1000, s13;
	s14 =	sadd.s32 $0x1000, s14  }
.Ltmp6:
0x44: {  	(pc) =	sbr.rel .LBB1_9-.Ltmp6, $4  }
0x45: {  	_ = 	snop  }
0x46: {  	s12 =	sshll.u32 s12, $0x9  }
0x47: {  	s12 =	sadd.s32 s4, s12  }
0x48: {  	[hbm4b:s12+s8] =	stream.linear.scatter [tilespmem:s15], [sflag:$0x2], $0x4000, $0x38;
	[tilespmem:$0x10000] =	vst v63  }
.LBB1_10:
0x49: {  	_ =	sfence.sel $0x180000  }
0x4a: {  	s2 =	simm.s32 $0x1;
	[bflag:$0x0] =	sbarrier.arrive $0xFFFF  }
0x4b: {  	s31 =	simm.s32 $0x2;
	[sflag:s2] =	ssyncpa.u1 $0x1  }
0x4c: {  	[sflag:s31] =	ssyncpa.u1 $0x1  }
0x4d: {  	p0 =	sne.s32 s0, $0x0;
	_ =	strace $0x90000047  }
0x4e: {  	s0 =	sadd.s32 @!p0 $0x100000, s1;
	[bflag:$0x2] =	sbarrier.arrive $0xFFFF  }
0x4f: {  	[sflag:s0] =	ssyncadd.tile.s32 @!p0 $0x1;
	_ =	shalt  }
.Lfunc_end1:
_tile_overlayer_lowered:
.L_overlay_start_2:
0x50: {  	(tag) =	ssettag $0x2  }
0x51: {  	s0 =	rddreg [dreg:$0x0];
	s2 =	stileid.u32  }
0x52: {  	s1 =	rddreg [dreg:$0x1];
	p0 =	sne.s32 s2, $0x0  }
0x53: {  	s3 =	rddreg [dreg:$0x2];
	[bflag:$0x3] =	sbarrier.arrive $0xFFFF;
	s2 =	simm.s32 @!p0 $0x1C01  }
0x54: {  	[timem:s3], [sflag:s2] =	dma.local @!p0 [hbm:s0], s1  }
0x55: {  	s0 =	simm.s32 @!p0 $0x1  }
0x56: {  	_ =	swait.ge @!p0 [sflag:s0], s1  }
0x57: {  	s1 =	ssub.s32 @!p0 $0x0, s1;
	[sflag:s0] =	ssyncset.done @!p0 $0x0  }
0x58: {  	[sflag:s0] =	ssyncadd.s32 @!p0 s1  }
0x59: {  	[bflag:$0x3] =	sbarrier.arrive $0xFFFF  }
0x5a: {  	_ =	shalt  }

</sc_bundles>
